<compile_context>
chip_gen: v7x
topology: tpu7x:2x2x1
jax: 0.10.2.dev20260603
libtpu: 0.0.44.dev20260713+nightly
codegen_flags: <defaults>
</compile_context>

<pallas_src>
import functools

import jax
import jax.numpy as jnp
import numpy as np
from jax import lax
from jax.experimental import pallas as pl
from jax.experimental.pallas import tpu as pltpu
from jax.experimental.pallas import tpu_sc as plsc

N = 10000
E = 320000
CH = 128
HALF = 64
DW = 8

NC = 2
NS = 16

CHUNK = 64
CPT = 160
NCHUNK = NC * NS * CPT
EPAD = NCHUNK * CHUNK

DCHUNK = 128
DNCHUNK = EPAD // DCHUNK
DCPT = DNCHUNK // (NC * NS)

ACCROWS = 10240
RPT = ACCROWS // NS
LASTM = N - (NS - 1) * RPT


def _sc_deg_body(dstc, zeros8, ones8, out, acc, dst_v, ones_v, dsem):
    c = lax.axis_index("c")
    s = lax.axis_index("s")
    r0 = s * RPT
    pltpu.sync_copy(zeros8.at[pl.ds(r0, RPT)], acc.at[pl.ds(r0, RPT)])
    pltpu.sync_copy(ones8, ones_v)
    base = c * (DNCHUNK // NC) + s * DCPT
    pltpu.sync_copy(dstc.at[pl.ds(base, DCPT)], dst_v)
    plsc.subcore_barrier()

    def body(k, carry):
        pltpu.async_copy(ones_v, acc.at[dst_v.at[k]], dsem, add=True)

        @pl.when(k >= 8)
        def _():
            pltpu.make_async_copy(ones_v, acc.at[pl.ds(0, DCHUNK)],
                                  dsem).wait()

        return carry

    lax.fori_loop(0, DCPT, body, 0)
    for _ in range(8):
        pltpu.make_async_copy(ones_v, acc.at[pl.ds(0, DCHUNK)], dsem).wait()
    plsc.subcore_barrier()
    pltpu.sync_copy(acc.at[pl.ds(r0, RPT)], out.at[c].at[pl.ds(r0, RPT)])


def _sc_conv_body(m, edgec, zeros, out, acc, idx_v, bufs,
                  gsem0, gsem1, gsem2, ssem0, ssem1, ssem2):
    c = lax.axis_index("c")
    s = lax.axis_index("s")
    r0 = s * RPT

    gsems = (gsem0, gsem1, gsem2)
    ssems = (ssem0, ssem1, ssem2)

    def start_gather(g, r):
        pltpu.async_copy(m.at[idx_v.at[g, pl.ds(0, CHUNK)]], bufs.at[r],
                         gsems[r])

    def wait_gather(r):
        pltpu.make_async_copy(m.at[pl.ds(0, CHUNK)], bufs.at[r],
                              gsems[r]).wait()

    def start_scatter(g, r):
        pltpu.async_copy(bufs.at[r], acc.at[idx_v.at[g, pl.ds(CHUNK, CHUNK)]],
                         ssems[r], add=True)

    def wait_scatter(r):
        pltpu.make_async_copy(bufs.at[r], acc.at[pl.ds(0, CHUNK)],
                              ssems[r]).wait()

    base = c * (NCHUNK // NC) + s * CPT
    pltpu.sync_copy(edgec.at[pl.ds(base, CPT)], idx_v)

    start_gather(0, 0)
    start_gather(1, 1)

    @pl.when(jnp.logical_and(c == 0, s < NS - 1))
    def _():
        pltpu.sync_copy(m.at[pl.ds(r0, RPT)], acc.at[pl.ds(r0, RPT)])

    @pl.when(jnp.logical_and(c == 0, s == NS - 1))
    def _():
        pltpu.sync_copy(m.at[pl.ds((NS - 1) * RPT, LASTM)],
                        acc.at[pl.ds((NS - 1) * RPT, LASTM)])
        pltpu.sync_copy(zeros.at[pl.ds(N, ACCROWS - N)],
                        acc.at[pl.ds(N, ACCROWS - N)])

    @pl.when(c == 1)
    def _():
        pltpu.sync_copy(zeros.at[pl.ds(r0, RPT)], acc.at[pl.ds(r0, RPT)])

    plsc.subcore_barrier()

    def body(gg, carry):
        g0 = gg * 3
        for r in (0, 1, 2):
            g = g0 + r
            r2 = (r + 2) % 3
            wait_gather(r)
            start_scatter(g, r)

            @pl.when(g + 2 < CPT)
            def _():
                @pl.when(g >= 1)
                def _():
                    wait_scatter(r2)

                start_gather(g + 2, r2)

        return carry

    lax.fori_loop(0, CPT // 3, body, 0)
    wait_gather(0)
    start_scatter(CPT - 1, 0)
    wait_scatter(2)
    wait_scatter(1)
    wait_scatter(0)
    plsc.subcore_barrier()
    pltpu.sync_copy(acc.at[pl.ds(r0, RPT)], out.at[c].at[pl.ds(r0, RPT)])


def _tc_prep_body(e_ref, pads_ref, ec_ref, dd_ref):
    e3 = e_ref[...].reshape(2, E // DCHUNK, DCHUNK)
    src2 = jnp.concatenate([e3[0], pads_ref[0]], 0)
    dst2 = jnp.concatenate([e3[1], pads_ref[1]], 0)
    src3 = src2.reshape(DNCHUNK, 2, CHUNK)
    dst3 = dst2.reshape(DNCHUNK, 2, CHUNK)
    cat = jnp.concatenate([src3, dst3], 2)
    ec_ref[...] = cat.reshape(NCHUNK, 2 * CHUNK)
    dd_ref[...] = dst2


def _dis_from_degp(degp_ref):
    deg = degp_ref[0, :, 0:1] + degp_ref[1, :, 0:1] + 1.0
    return lax.rsqrt(deg)[:N, :]


def _tc_m1_body(x_ref, w1_ref, degp_ref, out_ref):
    dis = _dis_from_degp(degp_ref)
    h = jnp.dot(x_ref[...], w1_ref[...], preferred_element_type=jnp.float32)
    out_ref[...] = h * dis


def _tc_m2_body(p_ref, degp_ref, b1_ref, wcat_ref, out_ref):
    dis = _dis_from_degp(degp_ref)
    a = p_ref[0, :N, :] + p_ref[1, :N, :]
    h = jnp.maximum(dis * a + b1_ref[...][None, :], 0.0)
    out_ref[...] = jnp.dot(h, wcat_ref[...],
                           preferred_element_type=jnp.float32) * dis


def _tc_out_body(q_ref, degp_ref, bmu_ref, bls_ref, mu_ref, ls_ref):
    dis = _dis_from_degp(degp_ref)
    o = dis * (q_ref[0, :N, :] + q_ref[1, :N, :])
    mu_ref[...] = o[:, :HALF] + bmu_ref[...][None, :]
    ls_ref[...] = o[:, HALF:] + bls_ref[...][None, :]


def _make_sc_kernels():
    mesh = plsc.VectorSubcoreMesh(core_axis_name="c", subcore_axis_name="s")
    deg_kernel = functools.partial(
        pl.kernel,
        out_type=jax.ShapeDtypeStruct((NC, ACCROWS, DW), jnp.float32),
        mesh=mesh,
        compiler_params=pltpu.CompilerParams(use_tc_tiling_on_sc=False),
        scratch_types=[
            pltpu.VMEM_SHARED((ACCROWS, DW), jnp.float32),
            pltpu.VMEM((DCPT, DCHUNK), jnp.int32),
            pltpu.VMEM((DCHUNK, DW), jnp.float32),
            pltpu.SemaphoreType.DMA,
        ],
    )(_sc_deg_body)
    conv_kernel = functools.partial(
        pl.kernel,
        out_type=jax.ShapeDtypeStruct((NC, ACCROWS, CH), jnp.float32),
        mesh=mesh,
        scratch_types=[
            pltpu.VMEM_SHARED((ACCROWS, CH), jnp.float32),
            pltpu.VMEM((CPT, 2 * CHUNK), jnp.int32),
            pltpu.VMEM((3, CHUNK, CH), jnp.float32),
            pltpu.SemaphoreType.DMA,
            pltpu.SemaphoreType.DMA,
            pltpu.SemaphoreType.DMA,
            pltpu.SemaphoreType.DMA,
            pltpu.SemaphoreType.DMA,
            pltpu.SemaphoreType.DMA,
        ],
    )(_sc_conv_body)
    return deg_kernel, conv_kernel


def kernel(x, edge_index, W1, b1, Wmu, bmu, Wls, bls):
    edge_index = edge_index.astype(jnp.int32)
    npad = EPAD - E
    ar = np.arange(npad, dtype=np.int32)
    pads = jnp.asarray(
        np.stack([(ar % N).reshape(npad // DCHUNK, DCHUNK),
                  (N + ar % (ACCROWS - N)).reshape(npad // DCHUNK, DCHUNK)]))
    zeros128 = jnp.zeros((ACCROWS, CH), jnp.float32)
    zeros8 = jnp.zeros((ACCROWS, DW), jnp.float32)
    ones8 = jnp.ones((DCHUNK, DW), jnp.float32)

    deg_kernel, conv_kernel = _make_sc_kernels()

    edgec, dstc_deg = pl.pallas_call(
        _tc_prep_body,
        out_shape=(jax.ShapeDtypeStruct((NCHUNK, 2 * CHUNK), jnp.int32),
                   jax.ShapeDtypeStruct((DNCHUNK, DCHUNK), jnp.int32)),
    )(edge_index, pads)

    degp = deg_kernel(dstc_deg, zeros8, ones8)

    m1 = pl.pallas_call(
        _tc_m1_body,
        out_shape=jax.ShapeDtypeStruct((N, CH), jnp.float32),
    )(x, W1, degp)

    p1 = conv_kernel(m1, edgec, zeros128)

    wcat = jnp.concatenate([Wmu, Wls], axis=1)
    m2 = pl.pallas_call(
        _tc_m2_body,
        out_shape=jax.ShapeDtypeStruct((N, CH), jnp.float32),
    )(p1, degp, b1, wcat)

    p2 = conv_kernel(m2, edgec, zeros128)

    mu, logstd = pl.pallas_call(
        _tc_out_body,
        out_shape=(jax.ShapeDtypeStruct((N, HALF), jnp.float32),
                   jax.ShapeDtypeStruct((N, HALF), jnp.float32)),
    )(p2, degp, bmu, bls)
    return (mu, logstd)

# --- scband reference (transcript-rebuilt; emitter-appended) ---
"""Pipeline reference for scband-vgcnencoder-62036507623793 (READ-ONLY COPY).

The authoritative reference and input builder live on the scoring server;
editing this copy changes nothing except your own understanding.
"""

import jax, jax.numpy as jnp
import numpy as np

N_NODES = 10000
N_EDGES = 320000
IN_CH = 128
OUT_CH = 64


def gcn_conv(x, src, dst, W, b, n_nodes):
    # add self loops
    loop = jnp.arange(n_nodes, dtype=src.dtype)
    s = jnp.concatenate([src, loop])
    d = jnp.concatenate([dst, loop])
    ew = jnp.ones(s.shape[0], dtype=x.dtype)
    deg = jax.ops.segment_sum(ew, d, num_segments=n_nodes)
    dis = jnp.where(deg > 0, jax.lax.rsqrt(deg), 0.0)
    norm = dis[s] * dis[d]
    h = x @ W
    msg = h[s] * norm[:, None]
    out = jax.ops.segment_sum(msg, d, num_segments=n_nodes)
    return out + b


def setup_inputs(seed: int = 0) -> dict:
    key = jax.random.key(seed)
    ks = jax.random.split(key, 10)
    x = jax.random.normal(ks[0], (N_NODES, IN_CH), dtype=jnp.float32)
    edge_index = jax.random.randint(ks[1], (2, N_EDGES), 0, N_NODES, dtype=jnp.int64)
    def glorot(k, shape):
        fan_in, fan_out = shape
        lim = jnp.sqrt(6.0 / (fan_in + fan_out))
        return jax.random.uniform(k, shape, jnp.float32, -lim, lim)
    W1 = glorot(ks[2], (IN_CH, 2 * OUT_CH))
    b1 = jnp.zeros((2 * OUT_CH,), jnp.float32)
    Wmu = glorot(ks[3], (2 * OUT_CH, OUT_CH))
    bmu = jnp.zeros((OUT_CH,), jnp.float32)
    Wls = glorot(ks[4], (2 * OUT_CH, OUT_CH))
    bls = jnp.zeros((OUT_CH,), jnp.float32)
    return {"x": x, "edge_index": edge_index, "W1": W1, "b1": b1, "Wmu": Wmu, "bmu": bmu, "Wls": Wls, "bls": bls}


def reference(x, edge_index, W1, b1, Wmu, bmu, Wls, bls):
    src = edge_index[0]
    dst = edge_index[1]
    h = gcn_conv(x, src, dst, W1, b1, N_NODES)
    h = jax.nn.relu(h)
    mu = gcn_conv(h, src, dst, Wmu, bmu, N_NODES)
    logstd = gcn_conv(h, src, dst, Wls, bls, N_NODES)
    return (mu, logstd)

if __name__ == "__main__":
    import jax
    _d = setup_inputs()
    print(jax.jit(kernel)(*tuple(_d.values())))

</pallas_src>

<mosaic_0001>
#map = affine_map<(d0, d1) -> (0, 0)>
#map1 = affine_map<(d0, d1) -> (0, 0, 0)>
module attributes {stable_mosaic.version = 14 : i64} {
  func.func @_sc_deg_body(%arg0: i32, %arg1: i32, %arg2: memref<2560x128xi32, #tpu.memory_space<hbm>>, %arg3: memref<10240x8xf32, #tpu.memory_space<hbm>>, %arg4: memref<128x8xf32, #tpu.memory_space<hbm>>, %arg5: memref<2x10240x8xf32, #tpu.memory_space<hbm>>, %arg6: memref<10240x8xf32, #tpu.memory_space<vmem_shared>>, %arg7: memref<80x128xi32, #tpu.memory_space<vmem>>, %arg8: memref<128x8xf32, #tpu.memory_space<vmem>>, %arg9: memref<!tpu.dma_semaphore, #tpu.memory_space<semaphore_mem>>) attributes {dimension_semantics = [#tpu.dimension_semantics<core_parallel>, #tpu.dimension_semantics<subcore_parallel>], iteration_bounds = array<i64: 2, 16>, scalar_prefetch = 0 : i64, scratch_operands = 4 : i64, tpu.core_type = #tpu.core_type<sc_vector_subcore>, window_params = [{transform_indices = #map}, {transform_indices = #map}, {transform_indices = #map}, {transform_indices = #map1}]} {
    %mul3A = arith.constant 640 : i32
    %mul3A_0 = arith.muli %arg1, %mul3A : i32
    "tpu.region"() ({
      %run_scoped3A = tpu.sem_alloc : memref<!tpu.dma_semaphore, #tpu.memory_space<semaphore_mem>>
      %dma_start3A = arith.constant 0 : i32
      %dma_start3A_58 = tpu.memref_slice %arg6[%mul3A_0, %dma_start3A] : memref<10240x8xf32, #tpu.memory_space<vmem_shared>> -> memref<640x8xf32, #tpu.memory_space<vmem_shared>>
      %dma_start3A_59 = arith.constant 0 : i32
      %dma_start3A_60 = tpu.memref_slice %arg3[%mul3A_0, %dma_start3A_59] : memref<10240x8xf32, #tpu.memory_space<hbm>> -> memref<640x8xf32, #tpu.memory_space<hbm>>
      tpu.enqueue_dma source(%dma_start3A_60 : memref<640x8xf32, #tpu.memory_space<hbm>>) target(%dma_start3A_58 : memref<640x8xf32, #tpu.memory_space<vmem_shared>>) target_semaphore(%run_scoped3A : memref<!tpu.dma_semaphore, #tpu.memory_space<semaphore_mem>>)
      %dma_wait3A_61 = arith.constant 0 : i32
      %dma_wait3A_62 = tpu.memref_slice %arg6[%mul3A_0, %dma_wait3A_61] : memref<10240x8xf32, #tpu.memory_space<vmem_shared>> -> memref<640x8xf32, #tpu.memory_space<vmem_shared>>
      %dma_wait3A_63 = arith.constant 0 : i32
      %dma_wait3A_64 = tpu.memref_slice %arg3[%mul3A_0, %dma_wait3A_63] : memref<10240x8xf32, #tpu.memory_space<hbm>> -> memref<640x8xf32, #tpu.memory_space<hbm>>
      tpu.wait_dma2 semaphore(%run_scoped3A : memref<!tpu.dma_semaphore, #tpu.memory_space<semaphore_mem>>) src(%dma_wait3A_64 : memref<640x8xf32, #tpu.memory_space<hbm>>) dst(%dma_wait3A_62 : memref<640x8xf32, #tpu.memory_space<vmem_shared>>)
      tpu.yield
    }) : () -> ()
    "tpu.region"() ({
      %run_scoped3A = tpu.sem_alloc : memref<!tpu.dma_semaphore, #tpu.memory_space<semaphore_mem>>
      tpu.enqueue_dma source(%arg4 : memref<128x8xf32, #tpu.memory_space<hbm>>) target(%arg8 : memref<128x8xf32, #tpu.memory_space<vmem>>) target_semaphore(%run_scoped3A : memref<!tpu.dma_semaphore, #tpu.memory_space<semaphore_mem>>)
      tpu.wait_dma2 semaphore(%run_scoped3A : memref<!tpu.dma_semaphore, #tpu.memory_space<semaphore_mem>>) src(%arg4 : memref<128x8xf32, #tpu.memory_space<hbm>>) dst(%arg8 : memref<128x8xf32, #tpu.memory_space<vmem>>)
      tpu.yield
    }) : () -> ()
    %mul3A_1 = arith.constant 1280 : i32
    %mul3A_2 = arith.muli %arg0, %mul3A_1 : i32
    %mul3A_3 = arith.constant 80 : i32
    %mul3A_4 = arith.muli %arg1, %mul3A_3 : i32
    %add3A = arith.addi %mul3A_2, %mul3A_4 : i32
    "tpu.region"() ({
      %run_scoped3A = tpu.sem_alloc : memref<!tpu.dma_semaphore, #tpu.memory_space<semaphore_mem>>
      %dma_start3A = arith.constant 0 : i32
      %dma_start3A_58 = tpu.memref_slice %arg2[%add3A, %dma_start3A] : memref<2560x128xi32, #tpu.memory_space<hbm>> -> memref<80x128xi32, #tpu.memory_space<hbm>>
      %dma_start3A_59 = arith.constant 0 : i32
      %dma_start3A_60 = tpu.memref_slice %arg2[%add3A, %dma_start3A_59] : memref<2560x128xi32, #tpu.memory_space<hbm>> -> memref<80x128xi32, #tpu.memory_space<hbm>>
      tpu.enqueue_dma source(%dma_start3A_60 : memref<80x128xi32, #tpu.memory_space<hbm>>) target(%arg7 : memref<80x128xi32, #tpu.memory_space<vmem>>) target_semaphore(%run_scoped3A : memref<!tpu.dma_semaphore, #tpu.memory_space<semaphore_mem>>)
      %dma_wait3A_61 = arith.constant 0 : i32
      %dma_wait3A_62 = tpu.memref_slice %arg2[%add3A, %dma_wait3A_61] : memref<2560x128xi32, #tpu.memory_space<hbm>> -> memref<80x128xi32, #tpu.memory_space<hbm>>
      %dma_wait3A_63 = arith.constant 0 : i32
      %dma_wait3A_64 = tpu.memref_slice %arg2[%add3A, %dma_wait3A_63] : memref<2560x128xi32, #tpu.memory_space<hbm>> -> memref<80x128xi32, #tpu.memory_space<hbm>>
      tpu.wait_dma2 semaphore(%run_scoped3A : memref<!tpu.dma_semaphore, #tpu.memory_space<semaphore_mem>>) src(%dma_wait3A_64 : memref<80x128xi32, #tpu.memory_space<hbm>>) dst(%arg7 : memref<80x128xi32, #tpu.memory_space<vmem>>)
      tpu.yield
    }) : () -> ()
    %barrier3A = arith.constant 0 : index
    tpu.barrier barrier_id(%barrier3A)
    %scan3A = arith.constant 0 : i32
    %scan3A_5 = arith.constant 0 : i32
    %scan3A_6 = arith.constant 80 : i32
    %scan3A_7 = arith.addi %scan3A_5, %scan3A_6 : i32
    %scan3A_8 = arith.constant 1 : i32
    scf.for %scan3A_58 = %scan3A_5 to %scan3A_7 step %scan3A_8  : i32 {
      %dma_start3A = arith.constant 0 : i32
      %dma_start3A_59 = tpu.memref_slice %arg7[%scan3A_58, %dma_start3A] : memref<80x128xi32, #tpu.memory_space<vmem>> -> memref<1x128xi32, #tpu.memory_space<vmem>>
      %dma_start3A_60 = tpu.memref_squeeze %dma_start3A_59 : memref<1x128xi32, #tpu.memory_space<vmem>> -> memref<128xi32, #tpu.memory_space<vmem>>
      %dma_start3A_61 = arith.constant 0 : i32
      %dma_start3A_62 = arith.constant 0 : i32
      %dma_start3A_63 = tpu.memref_slice %arg6[%dma_start3A_61, %dma_start3A_62] : memref<10240x8xf32, #tpu.memory_space<vmem_shared>> -> memref<10240x8xf32, #tpu.memory_space<vmem_shared>>
      tpu.enqueue_indirect_dma source(%arg8 : memref<128x8xf32, #tpu.memory_space<vmem>>) target(%dma_start3A_63 : memref<10240x8xf32, #tpu.memory_space<vmem_shared>>) offsets(%dma_start3A_60 : memref<128xi32, #tpu.memory_space<vmem>>) semaphore(%arg9 : memref<!tpu.dma_semaphore, #tpu.memory_space<semaphore_mem>>) {add = true}
      %ge3A = arith.constant 8 : i32
      %ge3A_64 = arith.cmpi sge, %scan3A_58, %ge3A : i32
      %convert_element_type3A = arith.extui %ge3A_64 : i1 to i32
      %cond3A = arith.constant 0 : i32
      %cond3A_65 = arith.cmpi ne, %convert_element_type3A, %cond3A : i32
      scf.if %cond3A_65 {
        %dma_wait3A_66 = arith.constant 0 : i32
        %dma_wait3A_67 = arith.constant 0 : i32
        %dma_wait3A_68 = tpu.memref_slice %arg6[%dma_wait3A_66, %dma_wait3A_67] : memref<10240x8xf32, #tpu.memory_space<vmem_shared>> -> memref<128x8xf32, #tpu.memory_space<vmem_shared>>
        %dma_wait3A_69 = arith.constant 0 : i32
        %dma_wait3A_70 = arith.constant 0 : i32
        %dma_wait3A_71 = tpu.memref_slice %arg6[%dma_wait3A_69, %dma_wait3A_70] : memref<10240x8xf32, #tpu.memory_space<vmem_shared>> -> memref<128x8xf32, #tpu.memory_space<vmem_shared>>
        tpu.wait_dma2 semaphore(%arg9 : memref<!tpu.dma_semaphore, #tpu.memory_space<semaphore_mem>>) src(%arg8 : memref<128x8xf32, #tpu.memory_space<vmem>>) dst(%dma_wait3A_71 : memref<128x8xf32, #tpu.memory_space<vmem_shared>>)
      } else {
      }
    }
    %scan3A_9 = arith.constant 80 : i32
    %dma_wait3A = arith.constant 0 : i32
    %dma_wait3A_10 = arith.constant 0 : i32
    %dma_wait3A_11 = tpu.memref_slice %arg6[%dma_wait3A, %dma_wait3A_10] : memref<10240x8xf32, #tpu.memory_space<vmem_shared>> -> memref<128x8xf32, #tpu.memory_space<vmem_shared>>
    %dma_wait3A_12 = arith.constant 0 : i32
    %dma_wait3A_13 = arith.constant 0 : i32
    %dma_wait3A_14 = tpu.memref_slice %arg6[%dma_wait3A_12, %dma_wait3A_13] : memref<10240x8xf32, #tpu.memory_space<vmem_shared>> -> memref<128x8xf32, #tpu.memory_space<vmem_shared>>
    tpu.wait_dma2 semaphore(%arg9 : memref<!tpu.dma_semaphore, #tpu.memory_space<semaphore_mem>>) src(%arg8 : memref<128x8xf32, #tpu.memory_space<vmem>>) dst(%dma_wait3A_14 : memref<128x8xf32, #tpu.memory_space<vmem_shared>>)
    %dma_wait3A_15 = arith.constant 0 : i32
    %dma_wait3A_16 = arith.constant 0 : i32
    %dma_wait3A_17 = tpu.memref_slice %arg6[%dma_wait3A_15, %dma_wait3A_16] : memref<10240x8xf32, #tpu.memory_space<vmem_shared>> -> memref<128x8xf32, #tpu.memory_space<vmem_shared>>
    %dma_wait3A_18 = arith.constant 0 : i32
    %dma_wait3A_19 = arith.constant 0 : i32
    %dma_wait3A_20 = tpu.memref_slice %arg6[%dma_wait3A_18, %dma_wait3A_19] : memref<10240x8xf32, #tpu.memory_space<vmem_shared>> -> memref<128x8xf32, #tpu.memory_space<vmem_shared>>
    tpu.wait_dma2 semaphore(%arg9 : memref<!tpu.dma_semaphore, #tpu.memory_space<semaphore_mem>>) src(%arg8 : memref<128x8xf32, #tpu.memory_space<vmem>>) dst(%dma_wait3A_20 : memref<128x8xf32, #tpu.memory_space<vmem_shared>>)
    %dma_wait3A_21 = arith.constant 0 : i32
    %dma_wait3A_22 = arith.constant 0 : i32
    %dma_wait3A_23 = tpu.memref_slice %arg6[%dma_wait3A_21, %dma_wait3A_22] : memref<10240x8xf32, #tpu.memory_space<vmem_shared>> -> memref<128x8xf32, #tpu.memory_space<vmem_shared>>
    %dma_wait3A_24 = arith.constant 0 : i32
    %dma_wait3A_25 = arith.constant 0 : i32
    %dma_wait3A_26 = tpu.memref_slice %arg6[%dma_wait3A_24, %dma_wait3A_25] : memref<10240x8xf32, #tpu.memory_space<vmem_shared>> -> memref<128x8xf32, #tpu.memory_space<vmem_shared>>
    tpu.wait_dma2 semaphore(%arg9 : memref<!tpu.dma_semaphore, #tpu.memory_space<semaphore_mem>>) src(%arg8 : memref<128x8xf32, #tpu.memory_space<vmem>>) dst(%dma_wait3A_26 : memref<128x8xf32, #tpu.memory_space<vmem_shared>>)
    %dma_wait3A_27 = arith.constant 0 : i32
    %dma_wait3A_28 = arith.constant 0 : i32
    %dma_wait3A_29 = tpu.memref_slice %arg6[%dma_wait3A_27, %dma_wait3A_28] : memref<10240x8xf32, #tpu.memory_space<vmem_shared>> -> memref<128x8xf32, #tpu.memory_space<vmem_shared>>
    %dma_wait3A_30 = arith.constant 0 : i32
    %dma_wait3A_31 = arith.constant 0 : i32
    %dma_wait3A_32 = tpu.memref_slice %arg6[%dma_wait3A_30, %dma_wait3A_31] : memref<10240x8xf32, #tpu.memory_space<vmem_shared>> -> memref<128x8xf32, #tpu.memory_space<vmem_shared>>
    tpu.wait_dma2 semaphore(%arg9 : memref<!tpu.dma_semaphore, #tpu.memory_space<semaphore_mem>>) src(%arg8 : memref<128x8xf32, #tpu.memory_space<vmem>>) dst(%dma_wait3A_32 : memref<128x8xf32, #tpu.memory_space<vmem_shared>>)
    %dma_wait3A_33 = arith.constant 0 : i32
    %dma_wait3A_34 = arith.constant 0 : i32
    %dma_wait3A_35 = tpu.memref_slice %arg6[%dma_wait3A_33, %dma_wait3A_34] : memref<10240x8xf32, #tpu.memory_space<vmem_shared>> -> memref<128x8xf32, #tpu.memory_space<vmem_shared>>
    %dma_wait3A_36 = arith.constant 0 : i32
    %dma_wait3A_37 = arith.constant 0 : i32
    %dma_wait3A_38 = tpu.memref_slice %arg6[%dma_wait3A_36, %dma_wait3A_37] : memref<10240x8xf32, #tpu.memory_space<vmem_shared>> -> memref<128x8xf32, #tpu.memory_space<vmem_shared>>
    tpu.wait_dma2 semaphore(%arg9 : memref<!tpu.dma_semaphore, #tpu.memory_space<semaphore_mem>>) src(%arg8 : memref<128x8xf32, #tpu.memory_space<vmem>>) dst(%dma_wait3A_38 : memref<128x8xf32, #tpu.memory_space<vmem_shared>>)
    %dma_wait3A_39 = arith.constant 0 : i32
    %dma_wait3A_40 = arith.constant 0 : i32
    %dma_wait3A_41 = tpu.memref_slice %arg6[%dma_wait3A_39, %dma_wait3A_40] : memref<10240x8xf32, #tpu.memory_space<vmem_shared>> -> memref<128x8xf32, #tpu.memory_space<vmem_shared>>
    %dma_wait3A_42 = arith.constant 0 : i32
    %dma_wait3A_43 = arith.constant 0 : i32
    %dma_wait3A_44 = tpu.memref_slice %arg6[%dma_wait3A_42, %dma_wait3A_43] : memref<10240x8xf32, #tpu.memory_space<vmem_shared>> -> memref<128x8xf32, #tpu.memory_space<vmem_shared>>
    tpu.wait_dma2 semaphore(%arg9 : memref<!tpu.dma_semaphore, #tpu.memory_space<semaphore_mem>>) src(%arg8 : memref<128x8xf32, #tpu.memory_space<vmem>>) dst(%dma_wait3A_44 : memref<128x8xf32, #tpu.memory_space<vmem_shared>>)
    %dma_wait3A_45 = arith.constant 0 : i32
    %dma_wait3A_46 = arith.constant 0 : i32
    %dma_wait3A_47 = tpu.memref_slice %arg6[%dma_wait3A_45, %dma_wait3A_46] : memref<10240x8xf32, #tpu.memory_space<vmem_shared>> -> memref<128x8xf32, #tpu.memory_space<vmem_shared>>
    %dma_wait3A_48 = arith.constant 0 : i32
    %dma_wait3A_49 = arith.constant 0 : i32
    %dma_wait3A_50 = tpu.memref_slice %arg6[%dma_wait3A_48, %dma_wait3A_49] : memref<10240x8xf32, #tpu.memory_space<vmem_shared>> -> memref<128x8xf32, #tpu.memory_space<vmem_shared>>
    tpu.wait_dma2 semaphore(%arg9 : memref<!tpu.dma_semaphore, #tpu.memory_space<semaphore_mem>>) src(%arg8 : memref<128x8xf32, #tpu.memory_space<vmem>>) dst(%dma_wait3A_50 : memref<128x8xf32, #tpu.memory_space<vmem_shared>>)
    %dma_wait3A_51 = arith.constant 0 : i32
    %dma_wait3A_52 = arith.constant 0 : i32
    %dma_wait3A_53 = tpu.memref_slice %arg6[%dma_wait3A_51, %dma_wait3A_52] : memref<10240x8xf32, #tpu.memory_space<vmem_shared>> -> memref<128x8xf32, #tpu.memory_space<vmem_shared>>
    %dma_wait3A_54 = arith.constant 0 : i32
    %dma_wait3A_55 = arith.constant 0 : i32
    %dma_wait3A_56 = tpu.memref_slice %arg6[%dma_wait3A_54, %dma_wait3A_55] : memref<10240x8xf32, #tpu.memory_space<vmem_shared>> -> memref<128x8xf32, #tpu.memory_space<vmem_shared>>
    tpu.wait_dma2 semaphore(%arg9 : memref<!tpu.dma_semaphore, #tpu.memory_space<semaphore_mem>>) src(%arg8 : memref<128x8xf32, #tpu.memory_space<vmem>>) dst(%dma_wait3A_56 : memref<128x8xf32, #tpu.memory_space<vmem_shared>>)
    %barrier3A_57 = arith.constant 0 : index
    tpu.barrier barrier_id(%barrier3A_57)
    "tpu.region"() ({
      %run_scoped3A = tpu.sem_alloc : memref<!tpu.dma_semaphore, #tpu.memory_space<semaphore_mem>>
      %dma_start3A = arith.constant 0 : i32
      %dma_start3A_58 = arith.constant 0 : i32
      %dma_start3A_59 = tpu.memref_slice %arg5[%arg0, %dma_start3A, %dma_start3A_58] : memref<2x10240x8xf32, #tpu.memory_space<hbm>> -> memref<1x10240x8xf32, #tpu.memory_space<hbm>>
      %dma_start3A_60 = tpu.memref_squeeze %dma_start3A_59 : memref<1x10240x8xf32, #tpu.memory_space<hbm>> -> memref<10240x8xf32, #tpu.memory_space<hbm>>
      %dma_start3A_61 = arith.constant 0 : i32
      %dma_start3A_62 = tpu.memref_slice %dma_start3A_60[%mul3A_0, %dma_start3A_61] : memref<10240x8xf32, #tpu.memory_space<hbm>> -> memref<640x8xf32, #tpu.memory_space<hbm>>
      %dma_start3A_63 = arith.constant 0 : i32
      %dma_start3A_64 = tpu.memref_slice %arg6[%mul3A_0, %dma_start3A_63] : memref<10240x8xf32, #tpu.memory_space<vmem_shared>> -> memref<640x8xf32, #tpu.memory_space<vmem_shared>>
      tpu.enqueue_dma source(%dma_start3A_64 : memref<640x8xf32, #tpu.memory_space<vmem_shared>>) target(%dma_start3A_62 : memref<640x8xf32, #tpu.memory_space<hbm>>) target_semaphore(%run_scoped3A : memref<!tpu.dma_semaphore, #tpu.memory_space<semaphore_mem>>)
      %dma_wait3A_65 = arith.constant 0 : i32
      %dma_wait3A_66 = arith.constant 0 : i32
      %dma_wait3A_67 = tpu.memref_slice %arg5[%arg0, %dma_wait3A_65, %dma_wait3A_66] : memref<2x10240x8xf32, #tpu.memory_space<hbm>> -> memref<1x10240x8xf32, #tpu.memory_space<hbm>>
      %dma_wait3A_68 = tpu.memref_squeeze %dma_wait3A_67 : memref<1x10240x8xf32, #tpu.memory_space<hbm>> -> memref<10240x8xf32, #tpu.memory_space<hbm>>
      %dma_wait3A_69 = arith.constant 0 : i32
      %dma_wait3A_70 = tpu.memref_slice %dma_wait3A_68[%mul3A_0, %dma_wait3A_69] : memref<10240x8xf32, #tpu.memory_space<hbm>> -> memref<640x8xf32, #tpu.memory_space<hbm>>
      %dma_wait3A_71 = arith.constant 0 : i32
      %dma_wait3A_72 = tpu.memref_slice %arg6[%mul3A_0, %dma_wait3A_71] : memref<10240x8xf32, #tpu.memory_space<vmem_shared>> -> memref<640x8xf32, #tpu.memory_space<vmem_shared>>
      tpu.wait_dma2 semaphore(%run_scoped3A : memref<!tpu.dma_semaphore, #tpu.memory_space<semaphore_mem>>) src(%dma_wait3A_72 : memref<640x8xf32, #tpu.memory_space<vmem_shared>>) dst(%dma_wait3A_70 : memref<640x8xf32, #tpu.memory_space<hbm>>)
      tpu.yield
    }) : () -> ()
    return
  }
}

#map = affine_map<(d0, d1) -> (0, 0)>
#map1 = affine_map<(d0, d1) -> (0, 0, 0)>
module attributes {stable_mosaic.version = 14 : i64} {
  func.func @_sc_conv_body(%arg0: i32, %arg1: i32, %arg2: memref<10000x128xf32, #tpu.memory_space<hbm>>, %arg3: memref<5120x128xi32, #tpu.memory_space<hbm>>, %arg4: memref<10240x128xf32, #tpu.memory_space<hbm>>, %arg5: memref<2x10240x128xf32, #tpu.memory_space<hbm>>, %arg6: memref<10240x128xf32, #tpu.memory_space<vmem_shared>>, %arg7: memref<160x128xi32, #tpu.memory_space<vmem>>, %arg8: memref<3x64x128xf32, #tpu.memory_space<vmem>>, %arg9: memref<!tpu.dma_semaphore, #tpu.memory_space<semaphore_mem>>, %arg10: memref<!tpu.dma_semaphore, #tpu.memory_space<semaphore_mem>>, %arg11: memref<!tpu.dma_semaphore, #tpu.memory_space<semaphore_mem>>, %arg12: memref<!tpu.dma_semaphore, #tpu.memory_space<semaphore_mem>>, %arg13: memref<!tpu.dma_semaphore, #tpu.memory_space<semaphore_mem>>, %arg14: memref<!tpu.dma_semaphore, #tpu.memory_space<semaphore_mem>>) attributes {dimension_semantics = [#tpu.dimension_semantics<core_parallel>, #tpu.dimension_semantics<subcore_parallel>], iteration_bounds = array<i64: 2, 16>, scalar_prefetch = 0 : i64, scratch_operands = 9 : i64, tpu.core_type = #tpu.core_type<sc_vector_subcore>, window_params = [{transform_indices = #map}, {transform_indices = #map}, {transform_indices = #map}, {transform_indices = #map1}]} {
    %mul3A = arith.constant 640 : i32
    %mul3A_0 = arith.muli %arg1, %mul3A : i32
    %mul3A_1 = arith.constant 2560 : i32
    %mul3A_2 = arith.muli %arg0, %mul3A_1 : i32
    %mul3A_3 = arith.constant 160 : i32
    %mul3A_4 = arith.muli %arg1, %mul3A_3 : i32
    %add3A = arith.addi %mul3A_2, %mul3A_4 : i32
    "tpu.region"() ({
      %run_scoped3A = tpu.sem_alloc : memref<!tpu.dma_semaphore, #tpu.memory_space<semaphore_mem>>
      %dma_start3A_121 = arith.constant 0 : i32
      %dma_start3A_122 = tpu.memref_slice %arg3[%add3A, %dma_start3A_121] : memref<5120x128xi32, #tpu.memory_space<hbm>> -> memref<160x128xi32, #tpu.memory_space<hbm>>
      %dma_start3A_123 = arith.constant 0 : i32
      %dma_start3A_124 = tpu.memref_slice %arg3[%add3A, %dma_start3A_123] : memref<5120x128xi32, #tpu.memory_space<hbm>> -> memref<160x128xi32, #tpu.memory_space<hbm>>
      tpu.enqueue_dma source(%dma_start3A_124 : memref<160x128xi32, #tpu.memory_space<hbm>>) target(%arg7 : memref<160x128xi32, #tpu.memory_space<vmem>>) target_semaphore(%run_scoped3A : memref<!tpu.dma_semaphore, #tpu.memory_space<semaphore_mem>>)
      %dma_wait3A_125 = arith.constant 0 : i32
      %dma_wait3A_126 = tpu.memref_slice %arg3[%add3A, %dma_wait3A_125] : memref<5120x128xi32, #tpu.memory_space<hbm>> -> memref<160x128xi32, #tpu.memory_space<hbm>>
      %dma_wait3A_127 = arith.constant 0 : i32
      %dma_wait3A_128 = tpu.memref_slice %arg3[%add3A, %dma_wait3A_127] : memref<5120x128xi32, #tpu.memory_space<hbm>> -> memref<160x128xi32, #tpu.memory_space<hbm>>
      tpu.wait_dma2 semaphore(%run_scoped3A : memref<!tpu.dma_semaphore, #tpu.memory_space<semaphore_mem>>) src(%dma_wait3A_128 : memref<160x128xi32, #tpu.memory_space<hbm>>) dst(%arg7 : memref<160x128xi32, #tpu.memory_space<vmem>>)
      tpu.yield
    }) : () -> ()
    %dma_start3A = arith.constant 0 : i32
    %dma_start3A_5 = arith.constant 0 : i32
    %dma_start3A_6 = arith.constant 0 : i32
    %dma_start3A_7 = arith.constant 0 : i32
    %dma_start3A_8 = tpu.memref_slice %arg8[%dma_start3A_5, %dma_start3A_6, %dma_start3A_7] : memref<3x64x128xf32, #tpu.memory_space<vmem>> -> memref<1x64x128xf32, #tpu.memory_space<vmem>>
    %dma_start3A_9 = tpu.memref_squeeze %dma_start3A_8 : memref<1x64x128xf32, #tpu.memory_space<vmem>> -> memref<64x128xf32, #tpu.memory_space<vmem>>
    %dma_start3A_10 = arith.constant 0 : i32
    %dma_start3A_11 = tpu.memref_slice %arg7[%dma_start3A, %dma_start3A_10] : memref<160x128xi32, #tpu.memory_space<vmem>> -> memref<1x64xi32, #tpu.memory_space<vmem>>
    %dma_start3A_12 = tpu.memref_squeeze %dma_start3A_11 : memref<1x64xi32, #tpu.memory_space<vmem>> -> memref<64xi32, #tpu.memory_space<vmem>>
    %dma_start3A_13 = arith.constant 0 : i32
    %dma_start3A_14 = arith.constant 0 : i32
    %dma_start3A_15 = tpu.memref_slice %arg2[%dma_start3A_13, %dma_start3A_14] : memref<10000x128xf32, #tpu.memory_space<hbm>> -> memref<10000x128xf32, #tpu.memory_space<hbm>>
    tpu.enqueue_indirect_dma source(%dma_start3A_15 : memref<10000x128xf32, #tpu.memory_space<hbm>>) target(%dma_start3A_9 : memref<64x128xf32, #tpu.memory_space<vmem>>) offsets(%dma_start3A_12 : memref<64xi32, #tpu.memory_space<vmem>>) semaphore(%arg9 : memref<!tpu.dma_semaphore, #tpu.memory_space<semaphore_mem>>)
    %dma_start3A_16 = arith.constant 1 : i32
    %dma_start3A_17 = arith.constant 1 : i32
    %dma_start3A_18 = arith.constant 0 : i32
    %dma_start3A_19 = arith.constant 0 : i32
    %dma_start3A_20 = tpu.memref_slice %arg8[%dma_start3A_17, %dma_start3A_18, %dma_start3A_19] : memref<3x64x128xf32, #tpu.memory_space<vmem>> -> memref<1x64x128xf32, #tpu.memory_space<vmem>>
    %dma_start3A_21 = tpu.memref_squeeze %dma_start3A_20 : memref<1x64x128xf32, #tpu.memory_space<vmem>> -> memref<64x128xf32, #tpu.memory_space<vmem>>
    %dma_start3A_22 = arith.constant 0 : i32
    %dma_start3A_23 = tpu.memref_slice %arg7[%dma_start3A_16, %dma_start3A_22] : memref<160x128xi32, #tpu.memory_space<vmem>> -> memref<1x64xi32, #tpu.memory_space<vmem>>
    %dma_start3A_24 = tpu.memref_squeeze %dma_start3A_23 : memref<1x64xi32, #tpu.memory_space<vmem>> -> memref<64xi32, #tpu.memory_space<vmem>>
    %dma_start3A_25 = arith.constant 0 : i32
    %dma_start3A_26 = arith.constant 0 : i32
    %dma_start3A_27 = tpu.memref_slice %arg2[%dma_start3A_25, %dma_start3A_26] : memref<10000x128xf32, #tpu.memory_space<hbm>> -> memref<10000x128xf32, #tpu.memory_space<hbm>>
    tpu.enqueue_indirect_dma source(%dma_start3A_27 : memref<10000x128xf32, #tpu.memory_space<hbm>>) target(%dma_start3A_21 : memref<64x128xf32, #tpu.memory_space<vmem>>) offsets(%dma_start3A_24 : memref<64xi32, #tpu.memory_space<vmem>>) semaphore(%arg10 : memref<!tpu.dma_semaphore, #tpu.memory_space<semaphore_mem>>)
    %eq3A = arith.constant 0 : i32
    %eq3A_28 = arith.cmpi eq, %arg0, %eq3A : i32
    %lt3A = arith.constant 15 : i32
    %lt3A_29 = arith.cmpi slt, %arg1, %lt3A : i32
    %and3A = arith.andi %eq3A_28, %lt3A_29 : i1
    %convert_element_type3A = arith.extui %and3A : i1 to i32
    %cond3A = arith.constant 0 : i32
    %cond3A_30 = arith.cmpi ne, %convert_element_type3A, %cond3A : i32
    scf.if %cond3A_30 {
      "tpu.region"() ({
        %run_scoped3A = tpu.sem_alloc : memref<!tpu.dma_semaphore, #tpu.memory_space<semaphore_mem>>
        %dma_start3A_121 = arith.constant 0 : i32
        %dma_start3A_122 = tpu.memref_slice %arg6[%mul3A_0, %dma_start3A_121] : memref<10240x128xf32, #tpu.memory_space<vmem_shared>> -> memref<640x128xf32, #tpu.memory_space<vmem_shared>>
        %dma_start3A_123 = arith.constant 0 : i32
        %dma_start3A_124 = tpu.memref_slice %arg2[%mul3A_0, %dma_start3A_123] : memref<10000x128xf32, #tpu.memory_space<hbm>> -> memref<640x128xf32, #tpu.memory_space<hbm>>
        tpu.enqueue_dma source(%dma_start3A_124 : memref<640x128xf32, #tpu.memory_space<hbm>>) target(%dma_start3A_122 : memref<640x128xf32, #tpu.memory_space<vmem_shared>>) target_semaphore(%run_scoped3A : memref<!tpu.dma_semaphore, #tpu.memory_space<semaphore_mem>>)
        %dma_wait3A_125 = arith.constant 0 : i32
        %dma_wait3A_126 = tpu.memref_slice %arg6[%mul3A_0, %dma_wait3A_125] : memref<10240x128xf32, #tpu.memory_space<vmem_shared>> -> memref<640x128xf32, #tpu.memory_space<vmem_shared>>
        %dma_wait3A_127 = arith.constant 0 : i32
        %dma_wait3A_128 = tpu.memref_slice %arg2[%mul3A_0, %dma_wait3A_127] : memref<10000x128xf32, #tpu.memory_space<hbm>> -> memref<640x128xf32, #tpu.memory_space<hbm>>
        tpu.wait_dma2 semaphore(%run_scoped3A : memref<!tpu.dma_semaphore, #tpu.memory_space<semaphore_mem>>) src(%dma_wait3A_128 : memref<640x128xf32, #tpu.memory_space<hbm>>) dst(%dma_wait3A_126 : memref<640x128xf32, #tpu.memory_space<vmem_shared>>)
        tpu.yield
      }) : () -> ()
    } else {
    }
    %eq3A_31 = arith.constant 0 : i32
    %eq3A_32 = arith.cmpi eq, %arg0, %eq3A_31 : i32
    %eq3A_33 = arith.constant 15 : i32
    %eq3A_34 = arith.cmpi eq, %arg1, %eq3A_33 : i32
    %and3A_35 = arith.andi %eq3A_32, %eq3A_34 : i1
    %convert_element_type3A_36 = arith.extui %and3A_35 : i1 to i32
    %cond3A_37 = arith.constant 0 : i32
    %cond3A_38 = arith.cmpi ne, %convert_element_type3A_36, %cond3A_37 : i32
    scf.if %cond3A_38 {
      "tpu.region"() ({
        %run_scoped3A = tpu.sem_alloc : memref<!tpu.dma_semaphore, #tpu.memory_space<semaphore_mem>>
        %dma_start3A_121 = arith.constant 9600 : i32
        %dma_start3A_122 = arith.constant 0 : i32
        %dma_start3A_123 = tpu.memref_slice %arg6[%dma_start3A_121, %dma_start3A_122] : memref<10240x128xf32, #tpu.memory_space<vmem_shared>> -> memref<400x128xf32, #tpu.memory_space<vmem_shared>>
        %dma_start3A_124 = arith.constant 9600 : i32
        %dma_start3A_125 = arith.constant 0 : i32
        %dma_start3A_126 = tpu.memref_slice %arg2[%dma_start3A_124, %dma_start3A_125] : memref<10000x128xf32, #tpu.memory_space<hbm>> -> memref<400x128xf32, #tpu.memory_space<hbm>>
        tpu.enqueue_dma source(%dma_start3A_126 : memref<400x128xf32, #tpu.memory_space<hbm>>) target(%dma_start3A_123 : memref<400x128xf32, #tpu.memory_space<vmem_shared>>) target_semaphore(%run_scoped3A : memref<!tpu.dma_semaphore, #tpu.memory_space<semaphore_mem>>)
        %dma_wait3A_127 = arith.constant 9600 : i32
        %dma_wait3A_128 = arith.constant 0 : i32
        %dma_wait3A_129 = tpu.memref_slice %arg6[%dma_wait3A_127, %dma_wait3A_128] : memref<10240x128xf32, #tpu.memory_space<vmem_shared>> -> memref<400x128xf32, #tpu.memory_space<vmem_shared>>
        %dma_wait3A_130 = arith.constant 9600 : i32
        %dma_wait3A_131 = arith.constant 0 : i32
        %dma_wait3A_132 = tpu.memref_slice %arg2[%dma_wait3A_130, %dma_wait3A_131] : memref<10000x128xf32, #tpu.memory_space<hbm>> -> memref<400x128xf32, #tpu.memory_space<hbm>>
        tpu.wait_dma2 semaphore(%run_scoped3A : memref<!tpu.dma_semaphore, #tpu.memory_space<semaphore_mem>>) src(%dma_wait3A_132 : memref<400x128xf32, #tpu.memory_space<hbm>>) dst(%dma_wait3A_129 : memref<400x128xf32, #tpu.memory_space<vmem_shared>>)
        tpu.yield
      }) : () -> ()
      "tpu.region"() ({
        %run_scoped3A = tpu.sem_alloc : memref<!tpu.dma_semaphore, #tpu.memory_space<semaphore_mem>>
        %dma_start3A_121 = arith.constant 10000 : i32
        %dma_start3A_122 = arith.constant 0 : i32
        %dma_start3A_123 = tpu.memref_slice %arg6[%dma_start3A_121, %dma_start3A_122] : memref<10240x128xf32, #tpu.memory_space<vmem_shared>> -> memref<240x128xf32, #tpu.memory_space<vmem_shared>>
        %dma_start3A_124 = arith.constant 10000 : i32
        %dma_start3A_125 = arith.constant 0 : i32
        %dma_start3A_126 = tpu.memref_slice %arg4[%dma_start3A_124, %dma_start3A_125] : memref<10240x128xf32, #tpu.memory_space<hbm>> -> memref<240x128xf32, #tpu.memory_space<hbm>>
        tpu.enqueue_dma source(%dma_start3A_126 : memref<240x128xf32, #tpu.memory_space<hbm>>) target(%dma_start3A_123 : memref<240x128xf32, #tpu.memory_space<vmem_shared>>) target_semaphore(%run_scoped3A : memref<!tpu.dma_semaphore, #tpu.memory_space<semaphore_mem>>)
        %dma_wait3A_127 = arith.constant 10000 : i32
        %dma_wait3A_128 = arith.constant 0 : i32
        %dma_wait3A_129 = tpu.memref_slice %arg6[%dma_wait3A_127, %dma_wait3A_128] : memref<10240x128xf32, #tpu.memory_space<vmem_shared>> -> memref<240x128xf32, #tpu.memory_space<vmem_shared>>
        %dma_wait3A_130 = arith.constant 10000 : i32
        %dma_wait3A_131 = arith.constant 0 : i32
        %dma_wait3A_132 = tpu.memref_slice %arg4[%dma_wait3A_130, %dma_wait3A_131] : memref<10240x128xf32, #tpu.memory_space<hbm>> -> memref<240x128xf32, #tpu.memory_space<hbm>>
        tpu.wait_dma2 semaphore(%run_scoped3A : memref<!tpu.dma_semaphore, #tpu.memory_space<semaphore_mem>>) src(%dma_wait3A_132 : memref<240x128xf32, #tpu.memory_space<hbm>>) dst(%dma_wait3A_129 : memref<240x128xf32, #tpu.memory_space<vmem_shared>>)
        tpu.yield
      }) : () -> ()
    } else {
    }
    %eq3A_39 = arith.constant 1 : i32
    %eq3A_40 = arith.cmpi eq, %arg0, %eq3A_39 : i32
    %convert_element_type3A_41 = arith.extui %eq3A_40 : i1 to i32
    %cond3A_42 = arith.constant 0 : i32
    %cond3A_43 = arith.cmpi ne, %convert_element_type3A_41, %cond3A_42 : i32
    scf.if %cond3A_43 {
      "tpu.region"() ({
        %run_scoped3A = tpu.sem_alloc : memref<!tpu.dma_semaphore, #tpu.memory_space<semaphore_mem>>
        %dma_start3A_121 = arith.constant 0 : i32
        %dma_start3A_122 = tpu.memref_slice %arg6[%mul3A_0, %dma_start3A_121] : memref<10240x128xf32, #tpu.memory_space<vmem_shared>> -> memref<640x128xf32, #tpu.memory_space<vmem_shared>>
        %dma_start3A_123 = arith.constant 0 : i32
        %dma_start3A_124 = tpu.memref_slice %arg4[%mul3A_0, %dma_start3A_123] : memref<10240x128xf32, #tpu.memory_space<hbm>> -> memref<640x128xf32, #tpu.memory_space<hbm>>
        tpu.enqueue_dma source(%dma_start3A_124 : memref<640x128xf32, #tpu.memory_space<hbm>>) target(%dma_start3A_122 : memref<640x128xf32, #tpu.memory_space<vmem_shared>>) target_semaphore(%run_scoped3A : memref<!tpu.dma_semaphore, #tpu.memory_space<semaphore_mem>>)
        %dma_wait3A_125 = arith.constant 0 : i32
        %dma_wait3A_126 = tpu.memref_slice %arg6[%mul3A_0, %dma_wait3A_125] : memref<10240x128xf32, #tpu.memory_space<vmem_shared>> -> memref<640x128xf32, #tpu.memory_space<vmem_shared>>
        %dma_wait3A_127 = arith.constant 0 : i32
        %dma_wait3A_128 = tpu.memref_slice %arg4[%mul3A_0, %dma_wait3A_127] : memref<10240x128xf32, #tpu.memory_space<hbm>> -> memref<640x128xf32, #tpu.memory_space<hbm>>
        tpu.wait_dma2 semaphore(%run_scoped3A : memref<!tpu.dma_semaphore, #tpu.memory_space<semaphore_mem>>) src(%dma_wait3A_128 : memref<640x128xf32, #tpu.memory_space<hbm>>) dst(%dma_wait3A_126 : memref<640x128xf32, #tpu.memory_space<vmem_shared>>)
        tpu.yield
      }) : () -> ()
    } else {
    }
    %barrier3A = arith.constant 0 : index
    tpu.barrier barrier_id(%barrier3A)
    %scan3A = arith.constant 0 : i32
    %scan3A_44 = arith.constant 0 : i32
    %scan3A_45 = arith.constant 53 : i32
    %scan3A_46 = arith.addi %scan3A_44, %scan3A_45 : i32
    %scan3A_47 = arith.constant 1 : i32
    scf.for %scan3A_121 = %scan3A_44 to %scan3A_46 step %scan3A_47  : i32 {
      %mul3A_122 = arith.constant 3 : i32
      %mul3A_123 = arith.muli %scan3A_121, %mul3A_122 : i32
      %add3A_124 = arith.constant 0 : i32
      %add3A_125 = arith.addi %mul3A_123, %add3A_124 : i32
      %dma_wait3A_126 = arith.constant 0 : i32
      %dma_wait3A_127 = arith.constant 0 : i32
      %dma_wait3A_128 = arith.constant 0 : i32
      %dma_wait3A_129 = tpu.memref_slice %arg8[%dma_wait3A_126, %dma_wait3A_127, %dma_wait3A_128] : memref<3x64x128xf32, #tpu.memory_space<vmem>> -> memref<1x64x128xf32, #tpu.memory_space<vmem>>
      %dma_wait3A_130 = tpu.memref_squeeze %dma_wait3A_129 : memref<1x64x128xf32, #tpu.memory_space<vmem>> -> memref<64x128xf32, #tpu.memory_space<vmem>>
      %dma_wait3A_131 = arith.constant 0 : i32
      %dma_wait3A_132 = arith.constant 0 : i32
      %dma_wait3A_133 = tpu.memref_slice %arg2[%dma_wait3A_131, %dma_wait3A_132] : memref<10000x128xf32, #tpu.memory_space<hbm>> -> memref<64x128xf32, #tpu.memory_space<hbm>>
      %dma_wait3A_134 = arith.constant 0 : i32
      %dma_wait3A_135 = arith.constant 0 : i32
      %dma_wait3A_136 = tpu.memref_slice %arg8[%dma_wait3A_126, %dma_wait3A_134, %dma_wait3A_135] : memref<3x64x128xf32, #tpu.memory_space<vmem>> -> memref<1x64x128xf32, #tpu.memory_space<vmem>>
      %dma_wait3A_137 = tpu.memref_squeeze %dma_wait3A_136 : memref<1x64x128xf32, #tpu.memory_space<vmem>> -> memref<64x128xf32, #tpu.memory_space<vmem>>
      %dma_wait3A_138 = arith.constant 0 : i32
      %dma_wait3A_139 = arith.constant 0 : i32
      %dma_wait3A_140 = tpu.memref_slice %arg2[%dma_wait3A_138, %dma_wait3A_139] : memref<10000x128xf32, #tpu.memory_space<hbm>> -> memref<64x128xf32, #tpu.memory_space<hbm>>
      tpu.wait_dma2 semaphore(%arg9 : memref<!tpu.dma_semaphore, #tpu.memory_space<semaphore_mem>>) src(%dma_wait3A_140 : memref<64x128xf32, #tpu.memory_space<hbm>>) dst(%dma_wait3A_137 : memref<64x128xf32, #tpu.memory_space<vmem>>)
      %dma_start3A_141 = arith.constant 0 : i32
      %dma_start3A_142 = arith.constant 0 : i32
      %dma_start3A_143 = arith.constant 0 : i32
      %dma_start3A_144 = tpu.memref_slice %arg8[%dma_start3A_141, %dma_start3A_142, %dma_start3A_143] : memref<3x64x128xf32, #tpu.memory_space<vmem>> -> memref<1x64x128xf32, #tpu.memory_space<vmem>>
      %dma_start3A_145 = tpu.memref_squeeze %dma_start3A_144 : memref<1x64x128xf32, #tpu.memory_space<vmem>> -> memref<64x128xf32, #tpu.memory_space<vmem>>
      %dma_start3A_146 = arith.constant 64 : i32
      %dma_start3A_147 = tpu.memref_slice %arg7[%add3A_125, %dma_start3A_146] : memref<160x128xi32, #tpu.memory_space<vmem>> -> memref<1x64xi32, #tpu.memory_space<vmem>>
      %dma_start3A_148 = tpu.memref_squeeze %dma_start3A_147 : memref<1x64xi32, #tpu.memory_space<vmem>> -> memref<64xi32, #tpu.memory_space<vmem>>
      %dma_start3A_149 = arith.constant 0 : i32
      %dma_start3A_150 = arith.constant 0 : i32
      %dma_start3A_151 = tpu.memref_slice %arg6[%dma_start3A_149, %dma_start3A_150] : memref<10240x128xf32, #tpu.memory_space<vmem_shared>> -> memref<10240x128xf32, #tpu.memory_space<vmem_shared>>
      tpu.enqueue_indirect_dma source(%dma_start3A_145 : memref<64x128xf32, #tpu.memory_space<vmem>>) target(%dma_start3A_151 : memref<10240x128xf32, #tpu.memory_space<vmem_shared>>) offsets(%dma_start3A_148 : memref<64xi32, #tpu.memory_space<vmem>>) semaphore(%arg12 : memref<!tpu.dma_semaphore, #tpu.memory_space<semaphore_mem>>) {add = true}
      %add3A_152 = arith.constant 2 : i32
      %add3A_153 = arith.addi %add3A_125, %add3A_152 : i32
      %lt3A_154 = arith.constant 160 : i32
      %lt3A_155 = arith.cmpi slt, %add3A_153, %lt3A_154 : i32
      %convert_element_type3A_156 = arith.extui %lt3A_155 : i1 to i32
      %cond3A_157 = arith.constant 0 : i32
      %cond3A_158 = arith.cmpi ne, %convert_element_type3A_156, %cond3A_157 : i32
      scf.if %cond3A_158 {
        %ge3A = arith.constant 1 : i32
        %ge3A_229 = arith.cmpi sge, %add3A_125, %ge3A : i32
        %convert_element_type3A_230 = arith.extui %ge3A_229 : i1 to i32
        %cond3A_231 = arith.constant 0 : i32
        %cond3A_232 = arith.cmpi ne, %convert_element_type3A_230, %cond3A_231 : i32
        scf.if %cond3A_232 {
          %dma_wait3A_246 = arith.constant 2 : i32
          %dma_wait3A_247 = arith.constant 0 : i32
          %dma_wait3A_248 = arith.constant 0 : i32
          %dma_wait3A_249 = tpu.memref_slice %arg8[%dma_wait3A_246, %dma_wait3A_247, %dma_wait3A_248] : memref<3x64x128xf32, #tpu.memory_space<vmem>> -> memref<1x64x128xf32, #tpu.memory_space<vmem>>
          %dma_wait3A_250 = tpu.memref_squeeze %dma_wait3A_249 : memref<1x64x128xf32, #tpu.memory_space<vmem>> -> memref<64x128xf32, #tpu.memory_space<vmem>>
          %dma_wait3A_251 = arith.constant 0 : i32
          %dma_wait3A_252 = arith.constant 0 : i32
          %dma_wait3A_253 = tpu.memref_slice %arg6[%dma_wait3A_251, %dma_wait3A_252] : memref<10240x128xf32, #tpu.memory_space<vmem_shared>> -> memref<64x128xf32, #tpu.memory_space<vmem_shared>>
          %dma_wait3A_254 = arith.constant 0 : i32
          %dma_wait3A_255 = arith.constant 0 : i32
          %dma_wait3A_256 = tpu.memref_slice %arg6[%dma_wait3A_254, %dma_wait3A_255] : memref<10240x128xf32, #tpu.memory_space<vmem_shared>> -> memref<64x128xf32, #tpu.memory_space<vmem_shared>>
          %dma_wait3A_257 = arith.constant 0 : i32
          %dma_wait3A_258 = arith.constant 0 : i32
          %dma_wait3A_259 = tpu.memref_slice %arg8[%dma_wait3A_246, %dma_wait3A_257, %dma_wait3A_258] : memref<3x64x128xf32, #tpu.memory_space<vmem>> -> memref<1x64x128xf32, #tpu.memory_space<vmem>>
          %dma_wait3A_260 = tpu.memref_squeeze %dma_wait3A_259 : memref<1x64x128xf32, #tpu.memory_space<vmem>> -> memref<64x128xf32, #tpu.memory_space<vmem>>
          tpu.wait_dma2 semaphore(%arg14 : memref<!tpu.dma_semaphore, #tpu.memory_space<semaphore_mem>>) src(%dma_wait3A_260 : memref<64x128xf32, #tpu.memory_space<vmem>>) dst(%dma_wait3A_256 : memref<64x128xf32, #tpu.memory_space<vmem_shared>>)
        } else {
        }
        %add3A_233 = arith.constant 2 : i32
        %add3A_234 = arith.addi %add3A_125, %add3A_233 : i32
        %dma_start3A_235 = arith.constant 2 : i32
        %dma_start3A_236 = arith.constant 0 : i32
        %dma_start3A_237 = arith.constant 0 : i32
        %dma_start3A_238 = tpu.memref_slice %arg8[%dma_start3A_235, %dma_start3A_236, %dma_start3A_237] : memref<3x64x128xf32, #tpu.memory_space<vmem>> -> memref<1x64x128xf32, #tpu.memory_space<vmem>>
        %dma_start3A_239 = tpu.memref_squeeze %dma_start3A_238 : memref<1x64x128xf32, #tpu.memory_space<vmem>> -> memref<64x128xf32, #tpu.memory_space<vmem>>
        %dma_start3A_240 = arith.constant 0 : i32
        %dma_start3A_241 = tpu.memref_slice %arg7[%add3A_234, %dma_start3A_240] : memref<160x128xi32, #tpu.memory_space<vmem>> -> memref<1x64xi32, #tpu.memory_space<vmem>>
        %dma_start3A_242 = tpu.memref_squeeze %dma_start3A_241 : memref<1x64xi32, #tpu.memory_space<vmem>> -> memref<64xi32, #tpu.memory_space<vmem>>
        %dma_start3A_243 = arith.constant 0 : i32
        %dma_start3A_244 = arith.constant 0 : i32
        %dma_start3A_245 = tpu.memref_slice %arg2[%dma_start3A_243, %dma_start3A_244] : memref<10000x128xf32, #tpu.memory_space<hbm>> -> memref<10000x128xf32, #tpu.memory_space<hbm>>
        tpu.enqueue_indirect_dma source(%dma_start3A_245 : memref<10000x128xf32, #tpu.memory_space<hbm>>) target(%dma_start3A_239 : memref<64x128xf32, #tpu.memory_space<vmem>>) offsets(%dma_start3A_242 : memref<64xi32, #tpu.memory_space<vmem>>) semaphore(%arg11 : memref<!tpu.dma_semaphore, #tpu.memory_space<semaphore_mem>>)
      } else {
      }
      %add3A_159 = arith.constant 1 : i32
      %add3A_160 = arith.addi %mul3A_123, %add3A_159 : i32
      %dma_wait3A_161 = arith.constant 1 : i32
      %dma_wait3A_162 = arith.constant 0 : i32
      %dma_wait3A_163 = arith.constant 0 : i32
      %dma_wait3A_164 = tpu.memref_slice %arg8[%dma_wait3A_161, %dma_wait3A_162, %dma_wait3A_163] : memref<3x64x128xf32, #tpu.memory_space<vmem>> -> memref<1x64x128xf32, #tpu.memory_space<vmem>>
      %dma_wait3A_165 = tpu.memref_squeeze %dma_wait3A_164 : memref<1x64x128xf32, #tpu.memory_space<vmem>> -> memref<64x128xf32, #tpu.memory_space<vmem>>
      %dma_wait3A_166 = arith.constant 0 : i32
      %dma_wait3A_167 = arith.constant 0 : i32
      %dma_wait3A_168 = tpu.memref_slice %arg2[%dma_wait3A_166, %dma_wait3A_167] : memref<10000x128xf32, #tpu.memory_space<hbm>> -> memref<64x128xf32, #tpu.memory_space<hbm>>
      %dma_wait3A_169 = arith.constant 0 : i32
      %dma_wait3A_170 = arith.constant 0 : i32
      %dma_wait3A_171 = tpu.memref_slice %arg8[%dma_wait3A_161, %dma_wait3A_169, %dma_wait3A_170] : memref<3x64x128xf32, #tpu.memory_space<vmem>> -> memref<1x64x128xf32, #tpu.memory_space<vmem>>
      %dma_wait3A_172 = tpu.memref_squeeze %dma_wait3A_171 : memref<1x64x128xf32, #tpu.memory_space<vmem>> -> memref<64x128xf32, #tpu.memory_space<vmem>>
      %dma_wait3A_173 = arith.constant 0 : i32
      %dma_wait3A_174 = arith.constant 0 : i32
      %dma_wait3A_175 = tpu.memref_slice %arg2[%dma_wait3A_173, %dma_wait3A_174] : memref<10000x128xf32, #tpu.memory_space<hbm>> -> memref<64x128xf32, #tpu.memory_space<hbm>>
      tpu.wait_dma2 semaphore(%arg10 : memref<!tpu.dma_semaphore, #tpu.memory_space<semaphore_mem>>) src(%dma_wait3A_175 : memref<64x128xf32, #tpu.memory_space<hbm>>) dst(%dma_wait3A_172 : memref<64x128xf32, #tpu.memory_space<vmem>>)
      %dma_start3A_176 = arith.constant 1 : i32
      %dma_start3A_177 = arith.constant 0 : i32
      %dma_start3A_178 = arith.constant 0 : i32
      %dma_start3A_179 = tpu.memref_slice %arg8[%dma_start3A_176, %dma_start3A_177, %dma_start3A_178] : memref<3x64x128xf32, #tpu.memory_space<vmem>> -> memref<1x64x128xf32, #tpu.memory_space<vmem>>
      %dma_start3A_180 = tpu.memref_squeeze %dma_start3A_179 : memref<1x64x128xf32, #tpu.memory_space<vmem>> -> memref<64x128xf32, #tpu.memory_space<vmem>>
      %dma_start3A_181 = arith.constant 64 : i32
      %dma_start3A_182 = tpu.memref_slice %arg7[%add3A_160, %dma_start3A_181] : memref<160x128xi32, #tpu.memory_space<vmem>> -> memref<1x64xi32, #tpu.memory_space<vmem>>
      %dma_start3A_183 = tpu.memref_squeeze %dma_start3A_182 : memref<1x64xi32, #tpu.memory_space<vmem>> -> memref<64xi32, #tpu.memory_space<vmem>>
      %dma_start3A_184 = arith.constant 0 : i32
      %dma_start3A_185 = arith.constant 0 : i32
      %dma_start3A_186 = tpu.memref_slice %arg6[%dma_start3A_184, %dma_start3A_185] : memref<10240x128xf32, #tpu.memory_space<vmem_shared>> -> memref<10240x128xf32, #tpu.memory_space<vmem_shared>>
      tpu.enqueue_indirect_dma source(%dma_start3A_180 : memref<64x128xf32, #tpu.memory_space<vmem>>) target(%dma_start3A_186 : memref<10240x128xf32, #tpu.memory_space<vmem_shared>>) offsets(%dma_start3A_183 : memref<64xi32, #tpu.memory_space<vmem>>) semaphore(%arg13 : memref<!tpu.dma_semaphore, #tpu.memory_space<semaphore_mem>>) {add = true}
      %add3A_187 = arith.constant 2 : i32
      %add3A_188 = arith.addi %add3A_160, %add3A_187 : i32
      %lt3A_189 = arith.constant 160 : i32
      %lt3A_190 = arith.cmpi slt, %add3A_188, %lt3A_189 : i32
      %convert_element_type3A_191 = arith.extui %lt3A_190 : i1 to i32
      %cond3A_192 = arith.constant 0 : i32
      %cond3A_193 = arith.cmpi ne, %convert_element_type3A_191, %cond3A_192 : i32
      scf.if %cond3A_193 {
        %ge3A = arith.constant 1 : i32
        %ge3A_229 = arith.cmpi sge, %add3A_160, %ge3A : i32
        %convert_element_type3A_230 = arith.extui %ge3A_229 : i1 to i32
        %cond3A_231 = arith.constant 0 : i32
        %cond3A_232 = arith.cmpi ne, %convert_element_type3A_230, %cond3A_231 : i32
        scf.if %cond3A_232 {
          %dma_wait3A_246 = arith.constant 0 : i32
          %dma_wait3A_247 = arith.constant 0 : i32
          %dma_wait3A_248 = arith.constant 0 : i32
          %dma_wait3A_249 = tpu.memref_slice %arg8[%dma_wait3A_246, %dma_wait3A_247, %dma_wait3A_248] : memref<3x64x128xf32, #tpu.memory_space<vmem>> -> memref<1x64x128xf32, #tpu.memory_space<vmem>>
          %dma_wait3A_250 = tpu.memref_squeeze %dma_wait3A_249 : memref<1x64x128xf32, #tpu.memory_space<vmem>> -> memref<64x128xf32, #tpu.memory_space<vmem>>
          %dma_wait3A_251 = arith.constant 0 : i32
          %dma_wait3A_252 = arith.constant 0 : i32
          %dma_wait3A_253 = tpu.memref_slice %arg6[%dma_wait3A_251, %dma_wait3A_252] : memref<10240x128xf32, #tpu.memory_space<vmem_shared>> -> memref<64x128xf32, #tpu.memory_space<vmem_shared>>
          %dma_wait3A_254 = arith.constant 0 : i32
          %dma_wait3A_255 = arith.constant 0 : i32
          %dma_wait3A_256 = tpu.memref_slice %arg6[%dma_wait3A_254, %dma_wait3A_255] : memref<10240x128xf32, #tpu.memory_space<vmem_shared>> -> memref<64x128xf32, #tpu.memory_space<vmem_shared>>
          %dma_wait3A_257 = arith.constant 0 : i32
          %dma_wait3A_258 = arith.constant 0 : i32
          %dma_wait3A_259 = tpu.memref_slice %arg8[%dma_wait3A_246, %dma_wait3A_257, %dma_wait3A_258] : memref<3x64x128xf32, #tpu.memory_space<vmem>> -> memref<1x64x128xf32, #tpu.memory_space<vmem>>
          %dma_wait3A_260 = tpu.memref_squeeze %dma_wait3A_259 : memref<1x64x128xf32, #tpu.memory_space<vmem>> -> memref<64x128xf32, #tpu.memory_space<vmem>>
          tpu.wait_dma2 semaphore(%arg12 : memref<!tpu.dma_semaphore, #tpu.memory_space<semaphore_mem>>) src(%dma_wait3A_260 : memref<64x128xf32, #tpu.memory_space<vmem>>) dst(%dma_wait3A_256 : memref<64x128xf32, #tpu.memory_space<vmem_shared>>)
        } else {
        }
        %add3A_233 = arith.constant 2 : i32
        %add3A_234 = arith.addi %add3A_160, %add3A_233 : i32
        %dma_start3A_235 = arith.constant 0 : i32
        %dma_start3A_236 = arith.constant 0 : i32
        %dma_start3A_237 = arith.constant 0 : i32
        %dma_start3A_238 = tpu.memref_slice %arg8[%dma_start3A_235, %dma_start3A_236, %dma_start3A_237] : memref<3x64x128xf32, #tpu.memory_space<vmem>> -> memref<1x64x128xf32, #tpu.memory_space<vmem>>
        %dma_start3A_239 = tpu.memref_squeeze %dma_start3A_238 : memref<1x64x128xf32, #tpu.memory_space<vmem>> -> memref<64x128xf32, #tpu.memory_space<vmem>>
        %dma_start3A_240 = arith.constant 0 : i32
        %dma_start3A_241 = tpu.memref_slice %arg7[%add3A_234, %dma_start3A_240] : memref<160x128xi32, #tpu.memory_space<vmem>> -> memref<1x64xi32, #tpu.memory_space<vmem>>
        %dma_start3A_242 = tpu.memref_squeeze %dma_start3A_241 : memref<1x64xi32, #tpu.memory_space<vmem>> -> memref<64xi32, #tpu.memory_space<vmem>>
        %dma_start3A_243 = arith.constant 0 : i32
        %dma_start3A_244 = arith.constant 0 : i32
        %dma_start3A_245 = tpu.memref_slice %arg2[%dma_start3A_243, %dma_start3A_244] : memref<10000x128xf32, #tpu.memory_space<hbm>> -> memref<10000x128xf32, #tpu.memory_space<hbm>>
        tpu.enqueue_indirect_dma source(%dma_start3A_245 : memref<10000x128xf32, #tpu.memory_space<hbm>>) target(%dma_start3A_239 : memref<64x128xf32, #tpu.memory_space<vmem>>) offsets(%dma_start3A_242 : memref<64xi32, #tpu.memory_space<vmem>>) semaphore(%arg9 : memref<!tpu.dma_semaphore, #tpu.memory_space<semaphore_mem>>)
      } else {
      }
      %add3A_194 = arith.constant 2 : i32
      %add3A_195 = arith.addi %mul3A_123, %add3A_194 : i32
      %dma_wait3A_196 = arith.constant 2 : i32
      %dma_wait3A_197 = arith.constant 0 : i32
      %dma_wait3A_198 = arith.constant 0 : i32
      %dma_wait3A_199 = tpu.memref_slice %arg8[%dma_wait3A_196, %dma_wait3A_197, %dma_wait3A_198] : memref<3x64x128xf32, #tpu.memory_space<vmem>> -> memref<1x64x128xf32, #tpu.memory_space<vmem>>
      %dma_wait3A_200 = tpu.memref_squeeze %dma_wait3A_199 : memref<1x64x128xf32, #tpu.memory_space<vmem>> -> memref<64x128xf32, #tpu.memory_space<vmem>>
      %dma_wait3A_201 = arith.constant 0 : i32
      %dma_wait3A_202 = arith.constant 0 : i32
      %dma_wait3A_203 = tpu.memref_slice %arg2[%dma_wait3A_201, %dma_wait3A_202] : memref<10000x128xf32, #tpu.memory_space<hbm>> -> memref<64x128xf32, #tpu.memory_space<hbm>>
      %dma_wait3A_204 = arith.constant 0 : i32
      %dma_wait3A_205 = arith.constant 0 : i32
      %dma_wait3A_206 = tpu.memref_slice %arg8[%dma_wait3A_196, %dma_wait3A_204, %dma_wait3A_205] : memref<3x64x128xf32, #tpu.memory_space<vmem>> -> memref<1x64x128xf32, #tpu.memory_space<vmem>>
      %dma_wait3A_207 = tpu.memref_squeeze %dma_wait3A_206 : memref<1x64x128xf32, #tpu.memory_space<vmem>> -> memref<64x128xf32, #tpu.memory_space<vmem>>
      %dma_wait3A_208 = arith.constant 0 : i32
      %dma_wait3A_209 = arith.constant 0 : i32
      %dma_wait3A_210 = tpu.memref_slice %arg2[%dma_wait3A_208, %dma_wait3A_209] : memref<10000x128xf32, #tpu.memory_space<hbm>> -> memref<64x128xf32, #tpu.memory_space<hbm>>
      tpu.wait_dma2 semaphore(%arg11 : memref<!tpu.dma_semaphore, #tpu.memory_space<semaphore_mem>>) src(%dma_wait3A_210 : memref<64x128xf32, #tpu.memory_space<hbm>>) dst(%dma_wait3A_207 : memref<64x128xf32, #tpu.memory_space<vmem>>)
      %dma_start3A_211 = arith.constant 2 : i32
      %dma_start3A_212 = arith.constant 0 : i32
      %dma_start3A_213 = arith.constant 0 : i32
      %dma_start3A_214 = tpu.memref_slice %arg8[%dma_start3A_211, %dma_start3A_212, %dma_start3A_213] : memref<3x64x128xf32, #tpu.memory_space<vmem>> -> memref<1x64x128xf32, #tpu.memory_space<vmem>>
      %dma_start3A_215 = tpu.memref_squeeze %dma_start3A_214 : memref<1x64x128xf32, #tpu.memory_space<vmem>> -> memref<64x128xf32, #tpu.memory_space<vmem>>
      %dma_start3A_216 = arith.constant 64 : i32
      %dma_start3A_217 = tpu.memref_slice %arg7[%add3A_195, %dma_start3A_216] : memref<160x128xi32, #tpu.memory_space<vmem>> -> memref<1x64xi32, #tpu.memory_space<vmem>>
      %dma_start3A_218 = tpu.memref_squeeze %dma_start3A_217 : memref<1x64xi32, #tpu.memory_space<vmem>> -> memref<64xi32, #tpu.memory_space<vmem>>
      %dma_start3A_219 = arith.constant 0 : i32
      %dma_start3A_220 = arith.constant 0 : i32
      %dma_start3A_221 = tpu.memref_slice %arg6[%dma_start3A_219, %dma_start3A_220] : memref<10240x128xf32, #tpu.memory_space<vmem_shared>> -> memref<10240x128xf32, #tpu.memory_space<vmem_shared>>
      tpu.enqueue_indirect_dma source(%dma_start3A_215 : memref<64x128xf32, #tpu.memory_space<vmem>>) target(%dma_start3A_221 : memref<10240x128xf32, #tpu.memory_space<vmem_shared>>) offsets(%dma_start3A_218 : memref<64xi32, #tpu.memory_space<vmem>>) semaphore(%arg14 : memref<!tpu.dma_semaphore, #tpu.memory_space<semaphore_mem>>) {add = true}
      %add3A_222 = arith.constant 2 : i32
      %add3A_223 = arith.addi %add3A_195, %add3A_222 : i32
      %lt3A_224 = arith.constant 160 : i32
      %lt3A_225 = arith.cmpi slt, %add3A_223, %lt3A_224 : i32
      %convert_element_type3A_226 = arith.extui %lt3A_225 : i1 to i32
      %cond3A_227 = arith.constant 0 : i32
      %cond3A_228 = arith.cmpi ne, %convert_element_type3A_226, %cond3A_227 : i32
      scf.if %cond3A_228 {
        %ge3A = arith.constant 1 : i32
        %ge3A_229 = arith.cmpi sge, %add3A_195, %ge3A : i32
        %convert_element_type3A_230 = arith.extui %ge3A_229 : i1 to i32
        %cond3A_231 = arith.constant 0 : i32
        %cond3A_232 = arith.cmpi ne, %convert_element_type3A_230, %cond3A_231 : i32
        scf.if %cond3A_232 {
          %dma_wait3A_246 = arith.constant 1 : i32
          %dma_wait3A_247 = arith.constant 0 : i32
          %dma_wait3A_248 = arith.constant 0 : i32
          %dma_wait3A_249 = tpu.memref_slice %arg8[%dma_wait3A_246, %dma_wait3A_247, %dma_wait3A_248] : memref<3x64x128xf32, #tpu.memory_space<vmem>> -> memref<1x64x128xf32, #tpu.memory_space<vmem>>
          %dma_wait3A_250 = tpu.memref_squeeze %dma_wait3A_249 : memref<1x64x128xf32, #tpu.memory_space<vmem>> -> memref<64x128xf32, #tpu.memory_space<vmem>>
          %dma_wait3A_251 = arith.constant 0 : i32
          %dma_wait3A_252 = arith.constant 0 : i32
          %dma_wait3A_253 = tpu.memref_slice %arg6[%dma_wait3A_251, %dma_wait3A_252] : memref<10240x128xf32, #tpu.memory_space<vmem_shared>> -> memref<64x128xf32, #tpu.memory_space<vmem_shared>>
          %dma_wait3A_254 = arith.constant 0 : i32
          %dma_wait3A_255 = arith.constant 0 : i32
          %dma_wait3A_256 = tpu.memref_slice %arg6[%dma_wait3A_254, %dma_wait3A_255] : memref<10240x128xf32, #tpu.memory_space<vmem_shared>> -> memref<64x128xf32, #tpu.memory_space<vmem_shared>>
          %dma_wait3A_257 = arith.constant 0 : i32
          %dma_wait3A_258 = arith.constant 0 : i32
          %dma_wait3A_259 = tpu.memref_slice %arg8[%dma_wait3A_246, %dma_wait3A_257, %dma_wait3A_258] : memref<3x64x128xf32, #tpu.memory_space<vmem>> -> memref<1x64x128xf32, #tpu.memory_space<vmem>>
          %dma_wait3A_260 = tpu.memref_squeeze %dma_wait3A_259 : memref<1x64x128xf32, #tpu.memory_space<vmem>> -> memref<64x128xf32, #tpu.memory_space<vmem>>
          tpu.wait_dma2 semaphore(%arg13 : memref<!tpu.dma_semaphore, #tpu.memory_space<semaphore_mem>>) src(%dma_wait3A_260 : memref<64x128xf32, #tpu.memory_space<vmem>>) dst(%dma_wait3A_256 : memref<64x128xf32, #tpu.memory_space<vmem_shared>>)
        } else {
        }
        %add3A_233 = arith.constant 2 : i32
        %add3A_234 = arith.addi %add3A_195, %add3A_233 : i32
        %dma_start3A_235 = arith.constant 1 : i32
        %dma_start3A_236 = arith.constant 0 : i32
        %dma_start3A_237 = arith.constant 0 : i32
        %dma_start3A_238 = tpu.memref_slice %arg8[%dma_start3A_235, %dma_start3A_236, %dma_start3A_237] : memref<3x64x128xf32, #tpu.memory_space<vmem>> -> memref<1x64x128xf32, #tpu.memory_space<vmem>>
        %dma_start3A_239 = tpu.memref_squeeze %dma_start3A_238 : memref<1x64x128xf32, #tpu.memory_space<vmem>> -> memref<64x128xf32, #tpu.memory_space<vmem>>
        %dma_start3A_240 = arith.constant 0 : i32
        %dma_start3A_241 = tpu.memref_slice %arg7[%add3A_234, %dma_start3A_240] : memref<160x128xi32, #tpu.memory_space<vmem>> -> memref<1x64xi32, #tpu.memory_space<vmem>>
        %dma_start3A_242 = tpu.memref_squeeze %dma_start3A_241 : memref<1x64xi32, #tpu.memory_space<vmem>> -> memref<64xi32, #tpu.memory_space<vmem>>
        %dma_start3A_243 = arith.constant 0 : i32
        %dma_start3A_244 = arith.constant 0 : i32
        %dma_start3A_245 = tpu.memref_slice %arg2[%dma_start3A_243, %dma_start3A_244] : memref<10000x128xf32, #tpu.memory_space<hbm>> -> memref<10000x128xf32, #tpu.memory_space<hbm>>
        tpu.enqueue_indirect_dma source(%dma_start3A_245 : memref<10000x128xf32, #tpu.memory_space<hbm>>) target(%dma_start3A_239 : memref<64x128xf32, #tpu.memory_space<vmem>>) offsets(%dma_start3A_242 : memref<64xi32, #tpu.memory_space<vmem>>) semaphore(%arg10 : memref<!tpu.dma_semaphore, #tpu.memory_space<semaphore_mem>>)
      } else {
      }
    }
    %scan3A_48 = arith.constant 53 : i32
    %dma_wait3A = arith.constant 0 : i32
    %dma_wait3A_49 = arith.constant 0 : i32
    %dma_wait3A_50 = arith.constant 0 : i32
    %dma_wait3A_51 = tpu.memref_slice %arg8[%dma_wait3A, %dma_wait3A_49, %dma_wait3A_50] : memref<3x64x128xf32, #tpu.memory_space<vmem>> -> memref<1x64x128xf32, #tpu.memory_space<vmem>>
    %dma_wait3A_52 = tpu.memref_squeeze %dma_wait3A_51 : memref<1x64x128xf32, #tpu.memory_space<vmem>> -> memref<64x128xf32, #tpu.memory_space<vmem>>
    %dma_wait3A_53 = arith.constant 0 : i32
    %dma_wait3A_54 = arith.constant 0 : i32
    %dma_wait3A_55 = tpu.memref_slice %arg2[%dma_wait3A_53, %dma_wait3A_54] : memref<10000x128xf32, #tpu.memory_space<hbm>> -> memref<64x128xf32, #tpu.memory_space<hbm>>
    %dma_wait3A_56 = arith.constant 0 : i32
    %dma_wait3A_57 = arith.constant 0 : i32
    %dma_wait3A_58 = tpu.memref_slice %arg8[%dma_wait3A, %dma_wait3A_56, %dma_wait3A_57] : memref<3x64x128xf32, #tpu.memory_space<vmem>> -> memref<1x64x128xf32, #tpu.memory_space<vmem>>
    %dma_wait3A_59 = tpu.memref_squeeze %dma_wait3A_58 : memref<1x64x128xf32, #tpu.memory_space<vmem>> -> memref<64x128xf32, #tpu.memory_space<vmem>>
    %dma_wait3A_60 = arith.constant 0 : i32
    %dma_wait3A_61 = arith.constant 0 : i32
    %dma_wait3A_62 = tpu.memref_slice %arg2[%dma_wait3A_60, %dma_wait3A_61] : memref<10000x128xf32, #tpu.memory_space<hbm>> -> memref<64x128xf32, #tpu.memory_space<hbm>>
    tpu.wait_dma2 semaphore(%arg9 : memref<!tpu.dma_semaphore, #tpu.memory_space<semaphore_mem>>) src(%dma_wait3A_62 : memref<64x128xf32, #tpu.memory_space<hbm>>) dst(%dma_wait3A_59 : memref<64x128xf32, #tpu.memory_space<vmem>>)
    %dma_start3A_63 = arith.constant 0 : i32
    %dma_start3A_64 = arith.constant 159 : i32
    %dma_start3A_65 = arith.constant 0 : i32
    %dma_start3A_66 = arith.constant 0 : i32
    %dma_start3A_67 = tpu.memref_slice %arg8[%dma_start3A_63, %dma_start3A_65, %dma_start3A_66] : memref<3x64x128xf32, #tpu.memory_space<vmem>> -> memref<1x64x128xf32, #tpu.memory_space<vmem>>
    %dma_start3A_68 = tpu.memref_squeeze %dma_start3A_67 : memref<1x64x128xf32, #tpu.memory_space<vmem>> -> memref<64x128xf32, #tpu.memory_space<vmem>>
    %dma_start3A_69 = arith.constant 64 : i32
    %dma_start3A_70 = tpu.memref_slice %arg7[%dma_start3A_64, %dma_start3A_69] : memref<160x128xi32, #tpu.memory_space<vmem>> -> memref<1x64xi32, #tpu.memory_space<vmem>>
    %dma_start3A_71 = tpu.memref_squeeze %dma_start3A_70 : memref<1x64xi32, #tpu.memory_space<vmem>> -> memref<64xi32, #tpu.memory_space<vmem>>
    %dma_start3A_72 = arith.constant 0 : i32
    %dma_start3A_73 = arith.constant 0 : i32
    %dma_start3A_74 = tpu.memref_slice %arg6[%dma_start3A_72, %dma_start3A_73] : memref<10240x128xf32, #tpu.memory_space<vmem_shared>> -> memref<10240x128xf32, #tpu.memory_space<vmem_shared>>
    tpu.enqueue_indirect_dma source(%dma_start3A_68 : memref<64x128xf32, #tpu.memory_space<vmem>>) target(%dma_start3A_74 : memref<10240x128xf32, #tpu.memory_space<vmem_shared>>) offsets(%dma_start3A_71 : memref<64xi32, #tpu.memory_space<vmem>>) semaphore(%arg12 : memref<!tpu.dma_semaphore, #tpu.memory_space<semaphore_mem>>) {add = true}
    %dma_wait3A_75 = arith.constant 2 : i32
    %dma_wait3A_76 = arith.constant 0 : i32
    %dma_wait3A_77 = arith.constant 0 : i32
    %dma_wait3A_78 = tpu.memref_slice %arg8[%dma_wait3A_75, %dma_wait3A_76, %dma_wait3A_77] : memref<3x64x128xf32, #tpu.memory_space<vmem>> -> memref<1x64x128xf32, #tpu.memory_space<vmem>>
    %dma_wait3A_79 = tpu.memref_squeeze %dma_wait3A_78 : memref<1x64x128xf32, #tpu.memory_space<vmem>> -> memref<64x128xf32, #tpu.memory_space<vmem>>
    %dma_wait3A_80 = arith.constant 0 : i32
    %dma_wait3A_81 = arith.constant 0 : i32
    %dma_wait3A_82 = tpu.memref_slice %arg6[%dma_wait3A_80, %dma_wait3A_81] : memref<10240x128xf32, #tpu.memory_space<vmem_shared>> -> memref<64x128xf32, #tpu.memory_space<vmem_shared>>
    %dma_wait3A_83 = arith.constant 0 : i32
    %dma_wait3A_84 = arith.constant 0 : i32
    %dma_wait3A_85 = tpu.memref_slice %arg6[%dma_wait3A_83, %dma_wait3A_84] : memref<10240x128xf32, #tpu.memory_space<vmem_shared>> -> memref<64x128xf32, #tpu.memory_space<vmem_shared>>
    %dma_wait3A_86 = arith.constant 0 : i32
    %dma_wait3A_87 = arith.constant 0 : i32
    %dma_wait3A_88 = tpu.memref_slice %arg8[%dma_wait3A_75, %dma_wait3A_86, %dma_wait3A_87] : memref<3x64x128xf32, #tpu.memory_space<vmem>> -> memref<1x64x128xf32, #tpu.memory_space<vmem>>
    %dma_wait3A_89 = tpu.memref_squeeze %dma_wait3A_88 : memref<1x64x128xf32, #tpu.memory_space<vmem>> -> memref<64x128xf32, #tpu.memory_space<vmem>>
    tpu.wait_dma2 semaphore(%arg14 : memref<!tpu.dma_semaphore, #tpu.memory_space<semaphore_mem>>) src(%dma_wait3A_89 : memref<64x128xf32, #tpu.memory_space<vmem>>) dst(%dma_wait3A_85 : memref<64x128xf32, #tpu.memory_space<vmem_shared>>)
    %dma_wait3A_90 = arith.constant 1 : i32
    %dma_wait3A_91 = arith.constant 0 : i32
    %dma_wait3A_92 = arith.constant 0 : i32
    %dma_wait3A_93 = tpu.memref_slice %arg8[%dma_wait3A_90, %dma_wait3A_91, %dma_wait3A_92] : memref<3x64x128xf32, #tpu.memory_space<vmem>> -> memref<1x64x128xf32, #tpu.memory_space<vmem>>
    %dma_wait3A_94 = tpu.memref_squeeze %dma_wait3A_93 : memref<1x64x128xf32, #tpu.memory_space<vmem>> -> memref<64x128xf32, #tpu.memory_space<vmem>>
    %dma_wait3A_95 = arith.constant 0 : i32
    %dma_wait3A_96 = arith.constant 0 : i32
    %dma_wait3A_97 = tpu.memref_slice %arg6[%dma_wait3A_95, %dma_wait3A_96] : memref<10240x128xf32, #tpu.memory_space<vmem_shared>> -> memref<64x128xf32, #tpu.memory_space<vmem_shared>>
    %dma_wait3A_98 = arith.constant 0 : i32
    %dma_wait3A_99 = arith.constant 0 : i32
    %dma_wait3A_100 = tpu.memref_slice %arg6[%dma_wait3A_98, %dma_wait3A_99] : memref<10240x128xf32, #tpu.memory_space<vmem_shared>> -> memref<64x128xf32, #tpu.memory_space<vmem_shared>>
    %dma_wait3A_101 = arith.constant 0 : i32
    %dma_wait3A_102 = arith.constant 0 : i32
    %dma_wait3A_103 = tpu.memref_slice %arg8[%dma_wait3A_90, %dma_wait3A_101, %dma_wait3A_102] : memref<3x64x128xf32, #tpu.memory_space<vmem>> -> memref<1x64x128xf32, #tpu.memory_space<vmem>>
    %dma_wait3A_104 = tpu.memref_squeeze %dma_wait3A_103 : memref<1x64x128xf32, #tpu.memory_space<vmem>> -> memref<64x128xf32, #tpu.memory_space<vmem>>
    tpu.wait_dma2 semaphore(%arg13 : memref<!tpu.dma_semaphore, #tpu.memory_space<semaphore_mem>>) src(%dma_wait3A_104 : memref<64x128xf32, #tpu.memory_space<vmem>>) dst(%dma_wait3A_100 : memref<64x128xf32, #tpu.memory_space<vmem_shared>>)
    %dma_wait3A_105 = arith.constant 0 : i32
    %dma_wait3A_106 = arith.constant 0 : i32
    %dma_wait3A_107 = arith.constant 0 : i32
    %dma_wait3A_108 = tpu.memref_slice %arg8[%dma_wait3A_105, %dma_wait3A_106, %dma_wait3A_107] : memref<3x64x128xf32, #tpu.memory_space<vmem>> -> memref<1x64x128xf32, #tpu.memory_space<vmem>>
    %dma_wait3A_109 = tpu.memref_squeeze %dma_wait3A_108 : memref<1x64x128xf32, #tpu.memory_space<vmem>> -> memref<64x128xf32, #tpu.memory_space<vmem>>
    %dma_wait3A_110 = arith.constant 0 : i32
    %dma_wait3A_111 = arith.constant 0 : i32
    %dma_wait3A_112 = tpu.memref_slice %arg6[%dma_wait3A_110, %dma_wait3A_111] : memref<10240x128xf32, #tpu.memory_space<vmem_shared>> -> memref<64x128xf32, #tpu.memory_space<vmem_shared>>
    %dma_wait3A_113 = arith.constant 0 : i32
    %dma_wait3A_114 = arith.constant 0 : i32
    %dma_wait3A_115 = tpu.memref_slice %arg6[%dma_wait3A_113, %dma_wait3A_114] : memref<10240x128xf32, #tpu.memory_space<vmem_shared>> -> memref<64x128xf32, #tpu.memory_space<vmem_shared>>
    %dma_wait3A_116 = arith.constant 0 : i32
    %dma_wait3A_117 = arith.constant 0 : i32
    %dma_wait3A_118 = tpu.memref_slice %arg8[%dma_wait3A_105, %dma_wait3A_116, %dma_wait3A_117] : memref<3x64x128xf32, #tpu.memory_space<vmem>> -> memref<1x64x128xf32, #tpu.memory_space<vmem>>
    %dma_wait3A_119 = tpu.memref_squeeze %dma_wait3A_118 : memref<1x64x128xf32, #tpu.memory_space<vmem>> -> memref<64x128xf32, #tpu.memory_space<vmem>>
    tpu.wait_dma2 semaphore(%arg12 : memref<!tpu.dma_semaphore, #tpu.memory_space<semaphore_mem>>) src(%dma_wait3A_119 : memref<64x128xf32, #tpu.memory_space<vmem>>) dst(%dma_wait3A_115 : memref<64x128xf32, #tpu.memory_space<vmem_shared>>)
    %barrier3A_120 = arith.constant 0 : index
    tpu.barrier barrier_id(%barrier3A_120)
    "tpu.region"() ({
      %run_scoped3A = tpu.sem_alloc : memref<!tpu.dma_semaphore, #tpu.memory_space<semaphore_mem>>
      %dma_start3A_121 = arith.constant 0 : i32
      %dma_start3A_122 = arith.constant 0 : i32
      %dma_start3A_123 = tpu.memref_slice %arg5[%arg0, %dma_start3A_121, %dma_start3A_122] : memref<2x10240x128xf32, #tpu.memory_space<hbm>> -> memref<1x10240x128xf32, #tpu.memory_space<hbm>>
      %dma_start3A_124 = tpu.memref_squeeze %dma_start3A_123 : memref<1x10240x128xf32, #tpu.memory_space<hbm>> -> memref<10240x128xf32, #tpu.memory_space<hbm>>
      %dma_start3A_125 = arith.constant 0 : i32
      %dma_start3A_126 = tpu.memref_slice %dma_start3A_124[%mul3A_0, %dma_start3A_125] : memref<10240x128xf32, #tpu.memory_space<hbm>> -> memref<640x128xf32, #tpu.memory_space<hbm>>
      %dma_start3A_127 = arith.constant 0 : i32
      %dma_start3A_128 = tpu.memref_slice %arg6[%mul3A_0, %dma_start3A_127] : memref<10240x128xf32, #tpu.memory_space<vmem_shared>> -> memref<640x128xf32, #tpu.memory_space<vmem_shared>>
      tpu.enqueue_dma source(%dma_start3A_128 : memref<640x128xf32, #tpu.memory_space<vmem_shared>>) target(%dma_start3A_126 : memref<640x128xf32, #tpu.memory_space<hbm>>) target_semaphore(%run_scoped3A : memref<!tpu.dma_semaphore, #tpu.memory_space<semaphore_mem>>)
      %dma_wait3A_129 = arith.constant 0 : i32
      %dma_wait3A_130 = arith.constant 0 : i32
      %dma_wait3A_131 = tpu.memref_slice %arg5[%arg0, %dma_wait3A_129, %dma_wait3A_130] : memref<2x10240x128xf32, #tpu.memory_space<hbm>> -> memref<1x10240x128xf32, #tpu.memory_space<hbm>>
      %dma_wait3A_132 = tpu.memref_squeeze %dma_wait3A_131 : memref<1x10240x128xf32, #tpu.memory_space<hbm>> -> memref<10240x128xf32, #tpu.memory_space<hbm>>
      %dma_wait3A_133 = arith.constant 0 : i32
      %dma_wait3A_134 = tpu.memref_slice %dma_wait3A_132[%mul3A_0, %dma_wait3A_133] : memref<10240x128xf32, #tpu.memory_space<hbm>> -> memref<640x128xf32, #tpu.memory_space<hbm>>
      %dma_wait3A_135 = arith.constant 0 : i32
      %dma_wait3A_136 = tpu.memref_slice %arg6[%mul3A_0, %dma_wait3A_135] : memref<10240x128xf32, #tpu.memory_space<vmem_shared>> -> memref<640x128xf32, #tpu.memory_space<vmem_shared>>
      tpu.wait_dma2 semaphore(%run_scoped3A : memref<!tpu.dma_semaphore, #tpu.memory_space<semaphore_mem>>) src(%dma_wait3A_136 : memref<640x128xf32, #tpu.memory_space<vmem_shared>>) dst(%dma_wait3A_134 : memref<640x128xf32, #tpu.memory_space<hbm>>)
      tpu.yield
    }) : () -> ()
    return
  }
}

#map = affine_map<(d0, d1) -> (0, 0)>
#map1 = affine_map<(d0, d1) -> (0, 0, 0)>
module attributes {stable_mosaic.version = 14 : i64} {
  func.func @_sc_conv_body(%arg0: i32, %arg1: i32, %arg2: memref<10000x128xf32, #tpu.memory_space<hbm>>, %arg3: memref<5120x128xi32, #tpu.memory_space<hbm>>, %arg4: memref<10240x128xf32, #tpu.memory_space<hbm>>, %arg5: memref<2x10240x128xf32, #tpu.memory_space<hbm>>, %arg6: memref<10240x128xf32, #tpu.memory_space<vmem_shared>>, %arg7: memref<160x128xi32, #tpu.memory_space<vmem>>, %arg8: memref<3x64x128xf32, #tpu.memory_space<vmem>>, %arg9: memref<!tpu.dma_semaphore, #tpu.memory_space<semaphore_mem>>, %arg10: memref<!tpu.dma_semaphore, #tpu.memory_space<semaphore_mem>>, %arg11: memref<!tpu.dma_semaphore, #tpu.memory_space<semaphore_mem>>, %arg12: memref<!tpu.dma_semaphore, #tpu.memory_space<semaphore_mem>>, %arg13: memref<!tpu.dma_semaphore, #tpu.memory_space<semaphore_mem>>, %arg14: memref<!tpu.dma_semaphore, #tpu.memory_space<semaphore_mem>>) attributes {dimension_semantics = [#tpu.dimension_semantics<core_parallel>, #tpu.dimension_semantics<subcore_parallel>], iteration_bounds = array<i64: 2, 16>, scalar_prefetch = 0 : i64, scratch_operands = 9 : i64, tpu.core_type = #tpu.core_type<sc_vector_subcore>, window_params = [{transform_indices = #map}, {transform_indices = #map}, {transform_indices = #map}, {transform_indices = #map1}]} {
    %mul3A = arith.constant 640 : i32
    %mul3A_0 = arith.muli %arg1, %mul3A : i32
    %mul3A_1 = arith.constant 2560 : i32
    %mul3A_2 = arith.muli %arg0, %mul3A_1 : i32
    %mul3A_3 = arith.constant 160 : i32
    %mul3A_4 = arith.muli %arg1, %mul3A_3 : i32
    %add3A = arith.addi %mul3A_2, %mul3A_4 : i32
    "tpu.region"() ({
      %run_scoped3A = tpu.sem_alloc : memref<!tpu.dma_semaphore, #tpu.memory_space<semaphore_mem>>
      %dma_start3A_121 = arith.constant 0 : i32
      %dma_start3A_122 = tpu.memref_slice %arg3[%add3A, %dma_start3A_121] : memref<5120x128xi32, #tpu.memory_space<hbm>> -> memref<160x128xi32, #tpu.memory_space<hbm>>
      %dma_start3A_123 = arith.constant 0 : i32
      %dma_start3A_124 = tpu.memref_slice %arg3[%add3A, %dma_start3A_123] : memref<5120x128xi32, #tpu.memory_space<hbm>> -> memref<160x128xi32, #tpu.memory_space<hbm>>
      tpu.enqueue_dma source(%dma_start3A_124 : memref<160x128xi32, #tpu.memory_space<hbm>>) target(%arg7 : memref<160x128xi32, #tpu.memory_space<vmem>>) target_semaphore(%run_scoped3A : memref<!tpu.dma_semaphore, #tpu.memory_space<semaphore_mem>>)
      %dma_wait3A_125 = arith.constant 0 : i32
      %dma_wait3A_126 = tpu.memref_slice %arg3[%add3A, %dma_wait3A_125] : memref<5120x128xi32, #tpu.memory_space<hbm>> -> memref<160x128xi32, #tpu.memory_space<hbm>>
      %dma_wait3A_127 = arith.constant 0 : i32
      %dma_wait3A_128 = tpu.memref_slice %arg3[%add3A, %dma_wait3A_127] : memref<5120x128xi32, #tpu.memory_space<hbm>> -> memref<160x128xi32, #tpu.memory_space<hbm>>
      tpu.wait_dma2 semaphore(%run_scoped3A : memref<!tpu.dma_semaphore, #tpu.memory_space<semaphore_mem>>) src(%dma_wait3A_128 : memref<160x128xi32, #tpu.memory_space<hbm>>) dst(%arg7 : memref<160x128xi32, #tpu.memory_space<vmem>>)
      tpu.yield
    }) : () -> ()
    %dma_start3A = arith.constant 0 : i32
    %dma_start3A_5 = arith.constant 0 : i32
    %dma_start3A_6 = arith.constant 0 : i32
    %dma_start3A_7 = arith.constant 0 : i32
    %dma_start3A_8 = tpu.memref_slice %arg8[%dma_start3A_5, %dma_start3A_6, %dma_start3A_7] : memref<3x64x128xf32, #tpu.memory_space<vmem>> -> memref<1x64x128xf32, #tpu.memory_space<vmem>>
    %dma_start3A_9 = tpu.memref_squeeze %dma_start3A_8 : memref<1x64x128xf32, #tpu.memory_space<vmem>> -> memref<64x128xf32, #tpu.memory_space<vmem>>
    %dma_start3A_10 = arith.constant 0 : i32
    %dma_start3A_11 = tpu.memref_slice %arg7[%dma_start3A, %dma_start3A_10] : memref<160x128xi32, #tpu.memory_space<vmem>> -> memref<1x64xi32, #tpu.memory_space<vmem>>
    %dma_start3A_12 = tpu.memref_squeeze %dma_start3A_11 : memref<1x64xi32, #tpu.memory_space<vmem>> -> memref<64xi32, #tpu.memory_space<vmem>>
    %dma_start3A_13 = arith.constant 0 : i32
    %dma_start3A_14 = arith.constant 0 : i32
    %dma_start3A_15 = tpu.memref_slice %arg2[%dma_start3A_13, %dma_start3A_14] : memref<10000x128xf32, #tpu.memory_space<hbm>> -> memref<10000x128xf32, #tpu.memory_space<hbm>>
    tpu.enqueue_indirect_dma source(%dma_start3A_15 : memref<10000x128xf32, #tpu.memory_space<hbm>>) target(%dma_start3A_9 : memref<64x128xf32, #tpu.memory_space<vmem>>) offsets(%dma_start3A_12 : memref<64xi32, #tpu.memory_space<vmem>>) semaphore(%arg9 : memref<!tpu.dma_semaphore, #tpu.memory_space<semaphore_mem>>)
    %dma_start3A_16 = arith.constant 1 : i32
    %dma_start3A_17 = arith.constant 1 : i32
    %dma_start3A_18 = arith.constant 0 : i32
    %dma_start3A_19 = arith.constant 0 : i32
    %dma_start3A_20 = tpu.memref_slice %arg8[%dma_start3A_17, %dma_start3A_18, %dma_start3A_19] : memref<3x64x128xf32, #tpu.memory_space<vmem>> -> memref<1x64x128xf32, #tpu.memory_space<vmem>>
    %dma_start3A_21 = tpu.memref_squeeze %dma_start3A_20 : memref<1x64x128xf32, #tpu.memory_space<vmem>> -> memref<64x128xf32, #tpu.memory_space<vmem>>
    %dma_start3A_22 = arith.constant 0 : i32
    %dma_start3A_23 = tpu.memref_slice %arg7[%dma_start3A_16, %dma_start3A_22] : memref<160x128xi32, #tpu.memory_space<vmem>> -> memref<1x64xi32, #tpu.memory_space<vmem>>
    %dma_start3A_24 = tpu.memref_squeeze %dma_start3A_23 : memref<1x64xi32, #tpu.memory_space<vmem>> -> memref<64xi32, #tpu.memory_space<vmem>>
    %dma_start3A_25 = arith.constant 0 : i32
    %dma_start3A_26 = arith.constant 0 : i32
    %dma_start3A_27 = tpu.memref_slice %arg2[%dma_start3A_25, %dma_start3A_26] : memref<10000x128xf32, #tpu.memory_space<hbm>> -> memref<10000x128xf32, #tpu.memory_space<hbm>>
    tpu.enqueue_indirect_dma source(%dma_start3A_27 : memref<10000x128xf32, #tpu.memory_space<hbm>>) target(%dma_start3A_21 : memref<64x128xf32, #tpu.memory_space<vmem>>) offsets(%dma_start3A_24 : memref<64xi32, #tpu.memory_space<vmem>>) semaphore(%arg10 : memref<!tpu.dma_semaphore, #tpu.memory_space<semaphore_mem>>)
    %eq3A = arith.constant 0 : i32
    %eq3A_28 = arith.cmpi eq, %arg0, %eq3A : i32
    %lt3A = arith.constant 15 : i32
    %lt3A_29 = arith.cmpi slt, %arg1, %lt3A : i32
    %and3A = arith.andi %eq3A_28, %lt3A_29 : i1
    %convert_element_type3A = arith.extui %and3A : i1 to i32
    %cond3A = arith.constant 0 : i32
    %cond3A_30 = arith.cmpi ne, %convert_element_type3A, %cond3A : i32
    scf.if %cond3A_30 {
      "tpu.region"() ({
        %run_scoped3A = tpu.sem_alloc : memref<!tpu.dma_semaphore, #tpu.memory_space<semaphore_mem>>
        %dma_start3A_121 = arith.constant 0 : i32
        %dma_start3A_122 = tpu.memref_slice %arg6[%mul3A_0, %dma_start3A_121] : memref<10240x128xf32, #tpu.memory_space<vmem_shared>> -> memref<640x128xf32, #tpu.memory_space<vmem_shared>>
        %dma_start3A_123 = arith.constant 0 : i32
        %dma_start3A_124 = tpu.memref_slice %arg2[%mul3A_0, %dma_start3A_123] : memref<10000x128xf32, #tpu.memory_space<hbm>> -> memref<640x128xf32, #tpu.memory_space<hbm>>
        tpu.enqueue_dma source(%dma_start3A_124 : memref<640x128xf32, #tpu.memory_space<hbm>>) target(%dma_start3A_122 : memref<640x128xf32, #tpu.memory_space<vmem_shared>>) target_semaphore(%run_scoped3A : memref<!tpu.dma_semaphore, #tpu.memory_space<semaphore_mem>>)
        %dma_wait3A_125 = arith.constant 0 : i32
        %dma_wait3A_126 = tpu.memref_slice %arg6[%mul3A_0, %dma_wait3A_125] : memref<10240x128xf32, #tpu.memory_space<vmem_shared>> -> memref<640x128xf32, #tpu.memory_space<vmem_shared>>
        %dma_wait3A_127 = arith.constant 0 : i32
        %dma_wait3A_128 = tpu.memref_slice %arg2[%mul3A_0, %dma_wait3A_127] : memref<10000x128xf32, #tpu.memory_space<hbm>> -> memref<640x128xf32, #tpu.memory_space<hbm>>
        tpu.wait_dma2 semaphore(%run_scoped3A : memref<!tpu.dma_semaphore, #tpu.memory_space<semaphore_mem>>) src(%dma_wait3A_128 : memref<640x128xf32, #tpu.memory_space<hbm>>) dst(%dma_wait3A_126 : memref<640x128xf32, #tpu.memory_space<vmem_shared>>)
        tpu.yield
      }) : () -> ()
    } else {
    }
    %eq3A_31 = arith.constant 0 : i32
    %eq3A_32 = arith.cmpi eq, %arg0, %eq3A_31 : i32
    %eq3A_33 = arith.constant 15 : i32
    %eq3A_34 = arith.cmpi eq, %arg1, %eq3A_33 : i32
    %and3A_35 = arith.andi %eq3A_32, %eq3A_34 : i1
    %convert_element_type3A_36 = arith.extui %and3A_35 : i1 to i32
    %cond3A_37 = arith.constant 0 : i32
    %cond3A_38 = arith.cmpi ne, %convert_element_type3A_36, %cond3A_37 : i32
    scf.if %cond3A_38 {
      "tpu.region"() ({
        %run_scoped3A = tpu.sem_alloc : memref<!tpu.dma_semaphore, #tpu.memory_space<semaphore_mem>>
        %dma_start3A_121 = arith.constant 9600 : i32
        %dma_start3A_122 = arith.constant 0 : i32
        %dma_start3A_123 = tpu.memref_slice %arg6[%dma_start3A_121, %dma_start3A_122] : memref<10240x128xf32, #tpu.memory_space<vmem_shared>> -> memref<400x128xf32, #tpu.memory_space<vmem_shared>>
        %dma_start3A_124 = arith.constant 9600 : i32
        %dma_start3A_125 = arith.constant 0 : i32
        %dma_start3A_126 = tpu.memref_slice %arg2[%dma_start3A_124, %dma_start3A_125] : memref<10000x128xf32, #tpu.memory_space<hbm>> -> memref<400x128xf32, #tpu.memory_space<hbm>>
        tpu.enqueue_dma source(%dma_start3A_126 : memref<400x128xf32, #tpu.memory_space<hbm>>) target(%dma_start3A_123 : memref<400x128xf32, #tpu.memory_space<vmem_shared>>) target_semaphore(%run_scoped3A : memref<!tpu.dma_semaphore, #tpu.memory_space<semaphore_mem>>)
        %dma_wait3A_127 = arith.constant 9600 : i32
        %dma_wait3A_128 = arith.constant 0 : i32
        %dma_wait3A_129 = tpu.memref_slice %arg6[%dma_wait3A_127, %dma_wait3A_128] : memref<10240x128xf32, #tpu.memory_space<vmem_shared>> -> memref<400x128xf32, #tpu.memory_space<vmem_shared>>
        %dma_wait3A_130 = arith.constant 9600 : i32
        %dma_wait3A_131 = arith.constant 0 : i32
        %dma_wait3A_132 = tpu.memref_slice %arg2[%dma_wait3A_130, %dma_wait3A_131] : memref<10000x128xf32, #tpu.memory_space<hbm>> -> memref<400x128xf32, #tpu.memory_space<hbm>>
        tpu.wait_dma2 semaphore(%run_scoped3A : memref<!tpu.dma_semaphore, #tpu.memory_space<semaphore_mem>>) src(%dma_wait3A_132 : memref<400x128xf32, #tpu.memory_space<hbm>>) dst(%dma_wait3A_129 : memref<400x128xf32, #tpu.memory_space<vmem_shared>>)
        tpu.yield
      }) : () -> ()
      "tpu.region"() ({
        %run_scoped3A = tpu.sem_alloc : memref<!tpu.dma_semaphore, #tpu.memory_space<semaphore_mem>>
        %dma_start3A_121 = arith.constant 10000 : i32
        %dma_start3A_122 = arith.constant 0 : i32
        %dma_start3A_123 = tpu.memref_slice %arg6[%dma_start3A_121, %dma_start3A_122] : memref<10240x128xf32, #tpu.memory_space<vmem_shared>> -> memref<240x128xf32, #tpu.memory_space<vmem_shared>>
        %dma_start3A_124 = arith.constant 10000 : i32
        %dma_start3A_125 = arith.constant 0 : i32
        %dma_start3A_126 = tpu.memref_slice %arg4[%dma_start3A_124, %dma_start3A_125] : memref<10240x128xf32, #tpu.memory_space<hbm>> -> memref<240x128xf32, #tpu.memory_space<hbm>>
        tpu.enqueue_dma source(%dma_start3A_126 : memref<240x128xf32, #tpu.memory_space<hbm>>) target(%dma_start3A_123 : memref<240x128xf32, #tpu.memory_space<vmem_shared>>) target_semaphore(%run_scoped3A : memref<!tpu.dma_semaphore, #tpu.memory_space<semaphore_mem>>)
        %dma_wait3A_127 = arith.constant 10000 : i32
        %dma_wait3A_128 = arith.constant 0 : i32
        %dma_wait3A_129 = tpu.memref_slice %arg6[%dma_wait3A_127, %dma_wait3A_128] : memref<10240x128xf32, #tpu.memory_space<vmem_shared>> -> memref<240x128xf32, #tpu.memory_space<vmem_shared>>
        %dma_wait3A_130 = arith.constant 10000 : i32
        %dma_wait3A_131 = arith.constant 0 : i32
        %dma_wait3A_132 = tpu.memref_slice %arg4[%dma_wait3A_130, %dma_wait3A_131] : memref<10240x128xf32, #tpu.memory_space<hbm>> -> memref<240x128xf32, #tpu.memory_space<hbm>>
        tpu.wait_dma2 semaphore(%run_scoped3A : memref<!tpu.dma_semaphore, #tpu.memory_space<semaphore_mem>>) src(%dma_wait3A_132 : memref<240x128xf32, #tpu.memory_space<hbm>>) dst(%dma_wait3A_129 : memref<240x128xf32, #tpu.memory_space<vmem_shared>>)
        tpu.yield
      }) : () -> ()
    } else {
    }
    %eq3A_39 = arith.constant 1 : i32
    %eq3A_40 = arith.cmpi eq, %arg0, %eq3A_39 : i32
    %convert_element_type3A_41 = arith.extui %eq3A_40 : i1 to i32
    %cond3A_42 = arith.constant 0 : i32
    %cond3A_43 = arith.cmpi ne, %convert_element_type3A_41, %cond3A_42 : i32
    scf.if %cond3A_43 {
      "tpu.region"() ({
        %run_scoped3A = tpu.sem_alloc : memref<!tpu.dma_semaphore, #tpu.memory_space<semaphore_mem>>
        %dma_start3A_121 = arith.constant 0 : i32
        %dma_start3A_122 = tpu.memref_slice %arg6[%mul3A_0, %dma_start3A_121] : memref<10240x128xf32, #tpu.memory_space<vmem_shared>> -> memref<640x128xf32, #tpu.memory_space<vmem_shared>>
        %dma_start3A_123 = arith.constant 0 : i32
        %dma_start3A_124 = tpu.memref_slice %arg4[%mul3A_0, %dma_start3A_123] : memref<10240x128xf32, #tpu.memory_space<hbm>> -> memref<640x128xf32, #tpu.memory_space<hbm>>
        tpu.enqueue_dma source(%dma_start3A_124 : memref<640x128xf32, #tpu.memory_space<hbm>>) target(%dma_start3A_122 : memref<640x128xf32, #tpu.memory_space<vmem_shared>>) target_semaphore(%run_scoped3A : memref<!tpu.dma_semaphore, #tpu.memory_space<semaphore_mem>>)
        %dma_wait3A_125 = arith.constant 0 : i32
        %dma_wait3A_126 = tpu.memref_slice %arg6[%mul3A_0, %dma_wait3A_125] : memref<10240x128xf32, #tpu.memory_space<vmem_shared>> -> memref<640x128xf32, #tpu.memory_space<vmem_shared>>
        %dma_wait3A_127 = arith.constant 0 : i32
        %dma_wait3A_128 = tpu.memref_slice %arg4[%mul3A_0, %dma_wait3A_127] : memref<10240x128xf32, #tpu.memory_space<hbm>> -> memref<640x128xf32, #tpu.memory_space<hbm>>
        tpu.wait_dma2 semaphore(%run_scoped3A : memref<!tpu.dma_semaphore, #tpu.memory_space<semaphore_mem>>) src(%dma_wait3A_128 : memref<640x128xf32, #tpu.memory_space<hbm>>) dst(%dma_wait3A_126 : memref<640x128xf32, #tpu.memory_space<vmem_shared>>)
        tpu.yield
      }) : () -> ()
    } else {
    }
    %barrier3A = arith.constant 0 : index
    tpu.barrier barrier_id(%barrier3A)
    %scan3A = arith.constant 0 : i32
    %scan3A_44 = arith.constant 0 : i32
    %scan3A_45 = arith.constant 53 : i32
    %scan3A_46 = arith.addi %scan3A_44, %scan3A_45 : i32
    %scan3A_47 = arith.constant 1 : i32
    scf.for %scan3A_121 = %scan3A_44 to %scan3A_46 step %scan3A_47  : i32 {
      %mul3A_122 = arith.constant 3 : i32
      %mul3A_123 = arith.muli %scan3A_121, %mul3A_122 : i32
      %add3A_124 = arith.constant 0 : i32
      %add3A_125 = arith.addi %mul3A_123, %add3A_124 : i32
      %dma_wait3A_126 = arith.constant 0 : i32
      %dma_wait3A_127 = arith.constant 0 : i32
      %dma_wait3A_128 = arith.constant 0 : i32
      %dma_wait3A_129 = tpu.memref_slice %arg8[%dma_wait3A_126, %dma_wait3A_127, %dma_wait3A_128] : memref<3x64x128xf32, #tpu.memory_space<vmem>> -> memref<1x64x128xf32, #tpu.memory_space<vmem>>
      %dma_wait3A_130 = tpu.memref_squeeze %dma_wait3A_129 : memref<1x64x128xf32, #tpu.memory_space<vmem>> -> memref<64x128xf32, #tpu.memory_space<vmem>>
      %dma_wait3A_131 = arith.constant 0 : i32
      %dma_wait3A_132 = arith.constant 0 : i32
      %dma_wait3A_133 = tpu.memref_slice %arg2[%dma_wait3A_131, %dma_wait3A_132] : memref<10000x128xf32, #tpu.memory_space<hbm>> -> memref<64x128xf32, #tpu.memory_space<hbm>>
      %dma_wait3A_134 = arith.constant 0 : i32
      %dma_wait3A_135 = arith.constant 0 : i32
      %dma_wait3A_136 = tpu.memref_slice %arg8[%dma_wait3A_126, %dma_wait3A_134, %dma_wait3A_135] : memref<3x64x128xf32, #tpu.memory_space<vmem>> -> memref<1x64x128xf32, #tpu.memory_space<vmem>>
      %dma_wait3A_137 = tpu.memref_squeeze %dma_wait3A_136 : memref<1x64x128xf32, #tpu.memory_space<vmem>> -> memref<64x128xf32, #tpu.memory_space<vmem>>
      %dma_wait3A_138 = arith.constant 0 : i32
      %dma_wait3A_139 = arith.constant 0 : i32
      %dma_wait3A_140 = tpu.memref_slice %arg2[%dma_wait3A_138, %dma_wait3A_139] : memref<10000x128xf32, #tpu.memory_space<hbm>> -> memref<64x128xf32, #tpu.memory_space<hbm>>
      tpu.wait_dma2 semaphore(%arg9 : memref<!tpu.dma_semaphore, #tpu.memory_space<semaphore_mem>>) src(%dma_wait3A_140 : memref<64x128xf32, #tpu.memory_space<hbm>>) dst(%dma_wait3A_137 : memref<64x128xf32, #tpu.memory_space<vmem>>)
      %dma_start3A_141 = arith.constant 0 : i32
      %dma_start3A_142 = arith.constant 0 : i32
      %dma_start3A_143 = arith.constant 0 : i32
      %dma_start3A_144 = tpu.memref_slice %arg8[%dma_start3A_141, %dma_start3A_142, %dma_start3A_143] : memref<3x64x128xf32, #tpu.memory_space<vmem>> -> memref<1x64x128xf32, #tpu.memory_space<vmem>>
      %dma_start3A_145 = tpu.memref_squeeze %dma_start3A_144 : memref<1x64x128xf32, #tpu.memory_space<vmem>> -> memref<64x128xf32, #tpu.memory_space<vmem>>
      %dma_start3A_146 = arith.constant 64 : i32
      %dma_start3A_147 = tpu.memref_slice %arg7[%add3A_125, %dma_start3A_146] : memref<160x128xi32, #tpu.memory_space<vmem>> -> memref<1x64xi32, #tpu.memory_space<vmem>>
      %dma_start3A_148 = tpu.memref_squeeze %dma_start3A_147 : memref<1x64xi32, #tpu.memory_space<vmem>> -> memref<64xi32, #tpu.memory_space<vmem>>
      %dma_start3A_149 = arith.constant 0 : i32
      %dma_start3A_150 = arith.constant 0 : i32
      %dma_start3A_151 = tpu.memref_slice %arg6[%dma_start3A_149, %dma_start3A_150] : memref<10240x128xf32, #tpu.memory_space<vmem_shared>> -> memref<10240x128xf32, #tpu.memory_space<vmem_shared>>
      tpu.enqueue_indirect_dma source(%dma_start3A_145 : memref<64x128xf32, #tpu.memory_space<vmem>>) target(%dma_start3A_151 : memref<10240x128xf32, #tpu.memory_space<vmem_shared>>) offsets(%dma_start3A_148 : memref<64xi32, #tpu.memory_space<vmem>>) semaphore(%arg12 : memref<!tpu.dma_semaphore, #tpu.memory_space<semaphore_mem>>) {add = true}
      %add3A_152 = arith.constant 2 : i32
      %add3A_153 = arith.addi %add3A_125, %add3A_152 : i32
      %lt3A_154 = arith.constant 160 : i32
      %lt3A_155 = arith.cmpi slt, %add3A_153, %lt3A_154 : i32
      %convert_element_type3A_156 = arith.extui %lt3A_155 : i1 to i32
      %cond3A_157 = arith.constant 0 : i32
      %cond3A_158 = arith.cmpi ne, %convert_element_type3A_156, %cond3A_157 : i32
      scf.if %cond3A_158 {
        %ge3A = arith.constant 1 : i32
        %ge3A_229 = arith.cmpi sge, %add3A_125, %ge3A : i32
        %convert_element_type3A_230 = arith.extui %ge3A_229 : i1 to i32
        %cond3A_231 = arith.constant 0 : i32
        %cond3A_232 = arith.cmpi ne, %convert_element_type3A_230, %cond3A_231 : i32
        scf.if %cond3A_232 {
          %dma_wait3A_246 = arith.constant 2 : i32
          %dma_wait3A_247 = arith.constant 0 : i32
          %dma_wait3A_248 = arith.constant 0 : i32
          %dma_wait3A_249 = tpu.memref_slice %arg8[%dma_wait3A_246, %dma_wait3A_247, %dma_wait3A_248] : memref<3x64x128xf32, #tpu.memory_space<vmem>> -> memref<1x64x128xf32, #tpu.memory_space<vmem>>
          %dma_wait3A_250 = tpu.memref_squeeze %dma_wait3A_249 : memref<1x64x128xf32, #tpu.memory_space<vmem>> -> memref<64x128xf32, #tpu.memory_space<vmem>>
          %dma_wait3A_251 = arith.constant 0 : i32
          %dma_wait3A_252 = arith.constant 0 : i32
          %dma_wait3A_253 = tpu.memref_slice %arg6[%dma_wait3A_251, %dma_wait3A_252] : memref<10240x128xf32, #tpu.memory_space<vmem_shared>> -> memref<64x128xf32, #tpu.memory_space<vmem_shared>>
          %dma_wait3A_254 = arith.constant 0 : i32
          %dma_wait3A_255 = arith.constant 0 : i32
          %dma_wait3A_256 = tpu.memref_slice %arg6[%dma_wait3A_254, %dma_wait3A_255] : memref<10240x128xf32, #tpu.memory_space<vmem_shared>> -> memref<64x128xf32, #tpu.memory_space<vmem_shared>>
          %dma_wait3A_257 = arith.constant 0 : i32
          %dma_wait3A_258 = arith.constant 0 : i32
          %dma_wait3A_259 = tpu.memref_slice %arg8[%dma_wait3A_246, %dma_wait3A_257, %dma_wait3A_258] : memref<3x64x128xf32, #tpu.memory_space<vmem>> -> memref<1x64x128xf32, #tpu.memory_space<vmem>>
          %dma_wait3A_260 = tpu.memref_squeeze %dma_wait3A_259 : memref<1x64x128xf32, #tpu.memory_space<vmem>> -> memref<64x128xf32, #tpu.memory_space<vmem>>
          tpu.wait_dma2 semaphore(%arg14 : memref<!tpu.dma_semaphore, #tpu.memory_space<semaphore_mem>>) src(%dma_wait3A_260 : memref<64x128xf32, #tpu.memory_space<vmem>>) dst(%dma_wait3A_256 : memref<64x128xf32, #tpu.memory_space<vmem_shared>>)
        } else {
        }
        %add3A_233 = arith.constant 2 : i32
        %add3A_234 = arith.addi %add3A_125, %add3A_233 : i32
        %dma_start3A_235 = arith.constant 2 : i32
        %dma_start3A_236 = arith.constant 0 : i32
        %dma_start3A_237 = arith.constant 0 : i32
        %dma_start3A_238 = tpu.memref_slice %arg8[%dma_start3A_235, %dma_start3A_236, %dma_start3A_237] : memref<3x64x128xf32, #tpu.memory_space<vmem>> -> memref<1x64x128xf32, #tpu.memory_space<vmem>>
        %dma_start3A_239 = tpu.memref_squeeze %dma_start3A_238 : memref<1x64x128xf32, #tpu.memory_space<vmem>> -> memref<64x128xf32, #tpu.memory_space<vmem>>
        %dma_start3A_240 = arith.constant 0 : i32
        %dma_start3A_241 = tpu.memref_slice %arg7[%add3A_234, %dma_start3A_240] : memref<160x128xi32, #tpu.memory_space<vmem>> -> memref<1x64xi32, #tpu.memory_space<vmem>>
        %dma_start3A_242 = tpu.memref_squeeze %dma_start3A_241 : memref<1x64xi32, #tpu.memory_space<vmem>> -> memref<64xi32, #tpu.memory_space<vmem>>
        %dma_start3A_243 = arith.constant 0 : i32
        %dma_start3A_244 = arith.constant 0 : i32
        %dma_start3A_245 = tpu.memref_slice %arg2[%dma_start3A_243, %dma_start3A_244] : memref<10000x128xf32, #tpu.memory_space<hbm>> -> memref<10000x128xf32, #tpu.memory_space<hbm>>
        tpu.enqueue_indirect_dma source(%dma_start3A_245 : memref<10000x128xf32, #tpu.memory_space<hbm>>) target(%dma_start3A_239 : memref<64x128xf32, #tpu.memory_space<vmem>>) offsets(%dma_start3A_242 : memref<64xi32, #tpu.memory_space<vmem>>) semaphore(%arg11 : memref<!tpu.dma_semaphore, #tpu.memory_space<semaphore_mem>>)
      } else {
      }
      %add3A_159 = arith.constant 1 : i32
      %add3A_160 = arith.addi %mul3A_123, %add3A_159 : i32
      %dma_wait3A_161 = arith.constant 1 : i32
      %dma_wait3A_162 = arith.constant 0 : i32
      %dma_wait3A_163 = arith.constant 0 : i32
      %dma_wait3A_164 = tpu.memref_slice %arg8[%dma_wait3A_161, %dma_wait3A_162, %dma_wait3A_163] : memref<3x64x128xf32, #tpu.memory_space<vmem>> -> memref<1x64x128xf32, #tpu.memory_space<vmem>>
      %dma_wait3A_165 = tpu.memref_squeeze %dma_wait3A_164 : memref<1x64x128xf32, #tpu.memory_space<vmem>> -> memref<64x128xf32, #tpu.memory_space<vmem>>
      %dma_wait3A_166 = arith.constant 0 : i32
      %dma_wait3A_167 = arith.constant 0 : i32
      %dma_wait3A_168 = tpu.memref_slice %arg2[%dma_wait3A_166, %dma_wait3A_167] : memref<10000x128xf32, #tpu.memory_space<hbm>> -> memref<64x128xf32, #tpu.memory_space<hbm>>
      %dma_wait3A_169 = arith.constant 0 : i32
      %dma_wait3A_170 = arith.constant 0 : i32
      %dma_wait3A_171 = tpu.memref_slice %arg8[%dma_wait3A_161, %dma_wait3A_169, %dma_wait3A_170] : memref<3x64x128xf32, #tpu.memory_space<vmem>> -> memref<1x64x128xf32, #tpu.memory_space<vmem>>
      %dma_wait3A_172 = tpu.memref_squeeze %dma_wait3A_171 : memref<1x64x128xf32, #tpu.memory_space<vmem>> -> memref<64x128xf32, #tpu.memory_space<vmem>>
      %dma_wait3A_173 = arith.constant 0 : i32
      %dma_wait3A_174 = arith.constant 0 : i32
      %dma_wait3A_175 = tpu.memref_slice %arg2[%dma_wait3A_173, %dma_wait3A_174] : memref<10000x128xf32, #tpu.memory_space<hbm>> -> memref<64x128xf32, #tpu.memory_space<hbm>>
      tpu.wait_dma2 semaphore(%arg10 : memref<!tpu.dma_semaphore, #tpu.memory_space<semaphore_mem>>) src(%dma_wait3A_175 : memref<64x128xf32, #tpu.memory_space<hbm>>) dst(%dma_wait3A_172 : memref<64x128xf32, #tpu.memory_space<vmem>>)
      %dma_start3A_176 = arith.constant 1 : i32
      %dma_start3A_177 = arith.constant 0 : i32
      %dma_start3A_178 = arith.constant 0 : i32
      %dma_start3A_179 = tpu.memref_slice %arg8[%dma_start3A_176, %dma_start3A_177, %dma_start3A_178] : memref<3x64x128xf32, #tpu.memory_space<vmem>> -> memref<1x64x128xf32, #tpu.memory_space<vmem>>
      %dma_start3A_180 = tpu.memref_squeeze %dma_start3A_179 : memref<1x64x128xf32, #tpu.memory_space<vmem>> -> memref<64x128xf32, #tpu.memory_space<vmem>>
      %dma_start3A_181 = arith.constant 64 : i32
      %dma_start3A_182 = tpu.memref_slice %arg7[%add3A_160, %dma_start3A_181] : memref<160x128xi32, #tpu.memory_space<vmem>> -> memref<1x64xi32, #tpu.memory_space<vmem>>
      %dma_start3A_183 = tpu.memref_squeeze %dma_start3A_182 : memref<1x64xi32, #tpu.memory_space<vmem>> -> memref<64xi32, #tpu.memory_space<vmem>>
      %dma_start3A_184 = arith.constant 0 : i32
      %dma_start3A_185 = arith.constant 0 : i32
      %dma_start3A_186 = tpu.memref_slice %arg6[%dma_start3A_184, %dma_start3A_185] : memref<10240x128xf32, #tpu.memory_space<vmem_shared>> -> memref<10240x128xf32, #tpu.memory_space<vmem_shared>>
      tpu.enqueue_indirect_dma source(%dma_start3A_180 : memref<64x128xf32, #tpu.memory_space<vmem>>) target(%dma_start3A_186 : memref<10240x128xf32, #tpu.memory_space<vmem_shared>>) offsets(%dma_start3A_183 : memref<64xi32, #tpu.memory_space<vmem>>) semaphore(%arg13 : memref<!tpu.dma_semaphore, #tpu.memory_space<semaphore_mem>>) {add = true}
      %add3A_187 = arith.constant 2 : i32
      %add3A_188 = arith.addi %add3A_160, %add3A_187 : i32
      %lt3A_189 = arith.constant 160 : i32
      %lt3A_190 = arith.cmpi slt, %add3A_188, %lt3A_189 : i32
      %convert_element_type3A_191 = arith.extui %lt3A_190 : i1 to i32
      %cond3A_192 = arith.constant 0 : i32
      %cond3A_193 = arith.cmpi ne, %convert_element_type3A_191, %cond3A_192 : i32
      scf.if %cond3A_193 {
        %ge3A = arith.constant 1 : i32
        %ge3A_229 = arith.cmpi sge, %add3A_160, %ge3A : i32
        %convert_element_type3A_230 = arith.extui %ge3A_229 : i1 to i32
        %cond3A_231 = arith.constant 0 : i32
        %cond3A_232 = arith.cmpi ne, %convert_element_type3A_230, %cond3A_231 : i32
        scf.if %cond3A_232 {
          %dma_wait3A_246 = arith.constant 0 : i32
          %dma_wait3A_247 = arith.constant 0 : i32
          %dma_wait3A_248 = arith.constant 0 : i32
          %dma_wait3A_249 = tpu.memref_slice %arg8[%dma_wait3A_246, %dma_wait3A_247, %dma_wait3A_248] : memref<3x64x128xf32, #tpu.memory_space<vmem>> -> memref<1x64x128xf32, #tpu.memory_space<vmem>>
          %dma_wait3A_250 = tpu.memref_squeeze %dma_wait3A_249 : memref<1x64x128xf32, #tpu.memory_space<vmem>> -> memref<64x128xf32, #tpu.memory_space<vmem>>
          %dma_wait3A_251 = arith.constant 0 : i32
          %dma_wait3A_252 = arith.constant 0 : i32
          %dma_wait3A_253 = tpu.memref_slice %arg6[%dma_wait3A_251, %dma_wait3A_252] : memref<10240x128xf32, #tpu.memory_space<vmem_shared>> -> memref<64x128xf32, #tpu.memory_space<vmem_shared>>
          %dma_wait3A_254 = arith.constant 0 : i32
          %dma_wait3A_255 = arith.constant 0 : i32
          %dma_wait3A_256 = tpu.memref_slice %arg6[%dma_wait3A_254, %dma_wait3A_255] : memref<10240x128xf32, #tpu.memory_space<vmem_shared>> -> memref<64x128xf32, #tpu.memory_space<vmem_shared>>
          %dma_wait3A_257 = arith.constant 0 : i32
          %dma_wait3A_258 = arith.constant 0 : i32
          %dma_wait3A_259 = tpu.memref_slice %arg8[%dma_wait3A_246, %dma_wait3A_257, %dma_wait3A_258] : memref<3x64x128xf32, #tpu.memory_space<vmem>> -> memref<1x64x128xf32, #tpu.memory_space<vmem>>
          %dma_wait3A_260 = tpu.memref_squeeze %dma_wait3A_259 : memref<1x64x128xf32, #tpu.memory_space<vmem>> -> memref<64x128xf32, #tpu.memory_space<vmem>>
          tpu.wait_dma2 semaphore(%arg12 : memref<!tpu.dma_semaphore, #tpu.memory_space<semaphore_mem>>) src(%dma_wait3A_260 : memref<64x128xf32, #tpu.memory_space<vmem>>) dst(%dma_wait3A_256 : memref<64x128xf32, #tpu.memory_space<vmem_shared>>)
        } else {
        }
        %add3A_233 = arith.constant 2 : i32
        %add3A_234 = arith.addi %add3A_160, %add3A_233 : i32
        %dma_start3A_235 = arith.constant 0 : i32
        %dma_start3A_236 = arith.constant 0 : i32
        %dma_start3A_237 = arith.constant 0 : i32
        %dma_start3A_238 = tpu.memref_slice %arg8[%dma_start3A_235, %dma_start3A_236, %dma_start3A_237] : memref<3x64x128xf32, #tpu.memory_space<vmem>> -> memref<1x64x128xf32, #tpu.memory_space<vmem>>
        %dma_start3A_239 = tpu.memref_squeeze %dma_start3A_238 : memref<1x64x128xf32, #tpu.memory_space<vmem>> -> memref<64x128xf32, #tpu.memory_space<vmem>>
        %dma_start3A_240 = arith.constant 0 : i32
        %dma_start3A_241 = tpu.memref_slice %arg7[%add3A_234, %dma_start3A_240] : memref<160x128xi32, #tpu.memory_space<vmem>> -> memref<1x64xi32, #tpu.memory_space<vmem>>
        %dma_start3A_242 = tpu.memref_squeeze %dma_start3A_241 : memref<1x64xi32, #tpu.memory_space<vmem>> -> memref<64xi32, #tpu.memory_space<vmem>>
        %dma_start3A_243 = arith.constant 0 : i32
        %dma_start3A_244 = arith.constant 0 : i32
        %dma_start3A_245 = tpu.memref_slice %arg2[%dma_start3A_243, %dma_start3A_244] : memref<10000x128xf32, #tpu.memory_space<hbm>> -> memref<10000x128xf32, #tpu.memory_space<hbm>>
        tpu.enqueue_indirect_dma source(%dma_start3A_245 : memref<10000x128xf32, #tpu.memory_space<hbm>>) target(%dma_start3A_239 : memref<64x128xf32, #tpu.memory_space<vmem>>) offsets(%dma_start3A_242 : memref<64xi32, #tpu.memory_space<vmem>>) semaphore(%arg9 : memref<!tpu.dma_semaphore, #tpu.memory_space<semaphore_mem>>)
      } else {
      }
      %add3A_194 = arith.constant 2 : i32
      %add3A_195 = arith.addi %mul3A_123, %add3A_194 : i32
      %dma_wait3A_196 = arith.constant 2 : i32
      %dma_wait3A_197 = arith.constant 0 : i32
      %dma_wait3A_198 = arith.constant 0 : i32
      %dma_wait3A_199 = tpu.memref_slice %arg8[%dma_wait3A_196, %dma_wait3A_197, %dma_wait3A_198] : memref<3x64x128xf32, #tpu.memory_space<vmem>> -> memref<1x64x128xf32, #tpu.memory_space<vmem>>
      %dma_wait3A_200 = tpu.memref_squeeze %dma_wait3A_199 : memref<1x64x128xf32, #tpu.memory_space<vmem>> -> memref<64x128xf32, #tpu.memory_space<vmem>>
      %dma_wait3A_201 = arith.constant 0 : i32
      %dma_wait3A_202 = arith.constant 0 : i32
      %dma_wait3A_203 = tpu.memref_slice %arg2[%dma_wait3A_201, %dma_wait3A_202] : memref<10000x128xf32, #tpu.memory_space<hbm>> -> memref<64x128xf32, #tpu.memory_space<hbm>>
      %dma_wait3A_204 = arith.constant 0 : i32
      %dma_wait3A_205 = arith.constant 0 : i32
      %dma_wait3A_206 = tpu.memref_slice %arg8[%dma_wait3A_196, %dma_wait3A_204, %dma_wait3A_205] : memref<3x64x128xf32, #tpu.memory_space<vmem>> -> memref<1x64x128xf32, #tpu.memory_space<vmem>>
      %dma_wait3A_207 = tpu.memref_squeeze %dma_wait3A_206 : memref<1x64x128xf32, #tpu.memory_space<vmem>> -> memref<64x128xf32, #tpu.memory_space<vmem>>
      %dma_wait3A_208 = arith.constant 0 : i32
      %dma_wait3A_209 = arith.constant 0 : i32
      %dma_wait3A_210 = tpu.memref_slice %arg2[%dma_wait3A_208, %dma_wait3A_209] : memref<10000x128xf32, #tpu.memory_space<hbm>> -> memref<64x128xf32, #tpu.memory_space<hbm>>
      tpu.wait_dma2 semaphore(%arg11 : memref<!tpu.dma_semaphore, #tpu.memory_space<semaphore_mem>>) src(%dma_wait3A_210 : memref<64x128xf32, #tpu.memory_space<hbm>>) dst(%dma_wait3A_207 : memref<64x128xf32, #tpu.memory_space<vmem>>)
      %dma_start3A_211 = arith.constant 2 : i32
      %dma_start3A_212 = arith.constant 0 : i32
      %dma_start3A_213 = arith.constant 0 : i32
      %dma_start3A_214 = tpu.memref_slice %arg8[%dma_start3A_211, %dma_start3A_212, %dma_start3A_213] : memref<3x64x128xf32, #tpu.memory_space<vmem>> -> memref<1x64x128xf32, #tpu.memory_space<vmem>>
      %dma_start3A_215 = tpu.memref_squeeze %dma_start3A_214 : memref<1x64x128xf32, #tpu.memory_space<vmem>> -> memref<64x128xf32, #tpu.memory_space<vmem>>
      %dma_start3A_216 = arith.constant 64 : i32
      %dma_start3A_217 = tpu.memref_slice %arg7[%add3A_195, %dma_start3A_216] : memref<160x128xi32, #tpu.memory_space<vmem>> -> memref<1x64xi32, #tpu.memory_space<vmem>>
      %dma_start3A_218 = tpu.memref_squeeze %dma_start3A_217 : memref<1x64xi32, #tpu.memory_space<vmem>> -> memref<64xi32, #tpu.memory_space<vmem>>
      %dma_start3A_219 = arith.constant 0 : i32
      %dma_start3A_220 = arith.constant 0 : i32
      %dma_start3A_221 = tpu.memref_slice %arg6[%dma_start3A_219, %dma_start3A_220] : memref<10240x128xf32, #tpu.memory_space<vmem_shared>> -> memref<10240x128xf32, #tpu.memory_space<vmem_shared>>
      tpu.enqueue_indirect_dma source(%dma_start3A_215 : memref<64x128xf32, #tpu.memory_space<vmem>>) target(%dma_start3A_221 : memref<10240x128xf32, #tpu.memory_space<vmem_shared>>) offsets(%dma_start3A_218 : memref<64xi32, #tpu.memory_space<vmem>>) semaphore(%arg14 : memref<!tpu.dma_semaphore, #tpu.memory_space<semaphore_mem>>) {add = true}
      %add3A_222 = arith.constant 2 : i32
      %add3A_223 = arith.addi %add3A_195, %add3A_222 : i32
      %lt3A_224 = arith.constant 160 : i32
      %lt3A_225 = arith.cmpi slt, %add3A_223, %lt3A_224 : i32
      %convert_element_type3A_226 = arith.extui %lt3A_225 : i1 to i32
      %cond3A_227 = arith.constant 0 : i32
      %cond3A_228 = arith.cmpi ne, %convert_element_type3A_226, %cond3A_227 : i32
      scf.if %cond3A_228 {
        %ge3A = arith.constant 1 : i32
        %ge3A_229 = arith.cmpi sge, %add3A_195, %ge3A : i32
        %convert_element_type3A_230 = arith.extui %ge3A_229 : i1 to i32
        %cond3A_231 = arith.constant 0 : i32
        %cond3A_232 = arith.cmpi ne, %convert_element_type3A_230, %cond3A_231 : i32
        scf.if %cond3A_232 {
          %dma_wait3A_246 = arith.constant 1 : i32
          %dma_wait3A_247 = arith.constant 0 : i32
          %dma_wait3A_248 = arith.constant 0 : i32
          %dma_wait3A_249 = tpu.memref_slice %arg8[%dma_wait3A_246, %dma_wait3A_247, %dma_wait3A_248] : memref<3x64x128xf32, #tpu.memory_space<vmem>> -> memref<1x64x128xf32, #tpu.memory_space<vmem>>
          %dma_wait3A_250 = tpu.memref_squeeze %dma_wait3A_249 : memref<1x64x128xf32, #tpu.memory_space<vmem>> -> memref<64x128xf32, #tpu.memory_space<vmem>>
          %dma_wait3A_251 = arith.constant 0 : i32
          %dma_wait3A_252 = arith.constant 0 : i32
          %dma_wait3A_253 = tpu.memref_slice %arg6[%dma_wait3A_251, %dma_wait3A_252] : memref<10240x128xf32, #tpu.memory_space<vmem_shared>> -> memref<64x128xf32, #tpu.memory_space<vmem_shared>>
          %dma_wait3A_254 = arith.constant 0 : i32
          %dma_wait3A_255 = arith.constant 0 : i32
          %dma_wait3A_256 = tpu.memref_slice %arg6[%dma_wait3A_254, %dma_wait3A_255] : memref<10240x128xf32, #tpu.memory_space<vmem_shared>> -> memref<64x128xf32, #tpu.memory_space<vmem_shared>>
          %dma_wait3A_257 = arith.constant 0 : i32
          %dma_wait3A_258 = arith.constant 0 : i32
          %dma_wait3A_259 = tpu.memref_slice %arg8[%dma_wait3A_246, %dma_wait3A_257, %dma_wait3A_258] : memref<3x64x128xf32, #tpu.memory_space<vmem>> -> memref<1x64x128xf32, #tpu.memory_space<vmem>>
          %dma_wait3A_260 = tpu.memref_squeeze %dma_wait3A_259 : memref<1x64x128xf32, #tpu.memory_space<vmem>> -> memref<64x128xf32, #tpu.memory_space<vmem>>
          tpu.wait_dma2 semaphore(%arg13 : memref<!tpu.dma_semaphore, #tpu.memory_space<semaphore_mem>>) src(%dma_wait3A_260 : memref<64x128xf32, #tpu.memory_space<vmem>>) dst(%dma_wait3A_256 : memref<64x128xf32, #tpu.memory_space<vmem_shared>>)
        } else {
        }
        %add3A_233 = arith.constant 2 : i32
        %add3A_234 = arith.addi %add3A_195, %add3A_233 : i32
        %dma_start3A_235 = arith.constant 1 : i32
        %dma_start3A_236 = arith.constant 0 : i32
        %dma_start3A_237 = arith.constant 0 : i32
        %dma_start3A_238 = tpu.memref_slice %arg8[%dma_start3A_235, %dma_start3A_236, %dma_start3A_237] : memref<3x64x128xf32, #tpu.memory_space<vmem>> -> memref<1x64x128xf32, #tpu.memory_space<vmem>>
        %dma_start3A_239 = tpu.memref_squeeze %dma_start3A_238 : memref<1x64x128xf32, #tpu.memory_space<vmem>> -> memref<64x128xf32, #tpu.memory_space<vmem>>
        %dma_start3A_240 = arith.constant 0 : i32
        %dma_start3A_241 = tpu.memref_slice %arg7[%add3A_234, %dma_start3A_240] : memref<160x128xi32, #tpu.memory_space<vmem>> -> memref<1x64xi32, #tpu.memory_space<vmem>>
        %dma_start3A_242 = tpu.memref_squeeze %dma_start3A_241 : memref<1x64xi32, #tpu.memory_space<vmem>> -> memref<64xi32, #tpu.memory_space<vmem>>
        %dma_start3A_243 = arith.constant 0 : i32
        %dma_start3A_244 = arith.constant 0 : i32
        %dma_start3A_245 = tpu.memref_slice %arg2[%dma_start3A_243, %dma_start3A_244] : memref<10000x128xf32, #tpu.memory_space<hbm>> -> memref<10000x128xf32, #tpu.memory_space<hbm>>
        tpu.enqueue_indirect_dma source(%dma_start3A_245 : memref<10000x128xf32, #tpu.memory_space<hbm>>) target(%dma_start3A_239 : memref<64x128xf32, #tpu.memory_space<vmem>>) offsets(%dma_start3A_242 : memref<64xi32, #tpu.memory_space<vmem>>) semaphore(%arg10 : memref<!tpu.dma_semaphore, #tpu.memory_space<semaphore_mem>>)
      } else {
      }
    }
    %scan3A_48 = arith.constant 53 : i32
    %dma_wait3A = arith.constant 0 : i32
    %dma_wait3A_49 = arith.constant 0 : i32
    %dma_wait3A_50 = arith.constant 0 : i32
    %dma_wait3A_51 = tpu.memref_slice %arg8[%dma_wait3A, %dma_wait3A_49, %dma_wait3A_50] : memref<3x64x128xf32, #tpu.memory_space<vmem>> -> memref<1x64x128xf32, #tpu.memory_space<vmem>>
    %dma_wait3A_52 = tpu.memref_squeeze %dma_wait3A_51 : memref<1x64x128xf32, #tpu.memory_space<vmem>> -> memref<64x128xf32, #tpu.memory_space<vmem>>
    %dma_wait3A_53 = arith.constant 0 : i32
    %dma_wait3A_54 = arith.constant 0 : i32
    %dma_wait3A_55 = tpu.memref_slice %arg2[%dma_wait3A_53, %dma_wait3A_54] : memref<10000x128xf32, #tpu.memory_space<hbm>> -> memref<64x128xf32, #tpu.memory_space<hbm>>
    %dma_wait3A_56 = arith.constant 0 : i32
    %dma_wait3A_57 = arith.constant 0 : i32
    %dma_wait3A_58 = tpu.memref_slice %arg8[%dma_wait3A, %dma_wait3A_56, %dma_wait3A_57] : memref<3x64x128xf32, #tpu.memory_space<vmem>> -> memref<1x64x128xf32, #tpu.memory_space<vmem>>
    %dma_wait3A_59 = tpu.memref_squeeze %dma_wait3A_58 : memref<1x64x128xf32, #tpu.memory_space<vmem>> -> memref<64x128xf32, #tpu.memory_space<vmem>>
    %dma_wait3A_60 = arith.constant 0 : i32
    %dma_wait3A_61 = arith.constant 0 : i32
    %dma_wait3A_62 = tpu.memref_slice %arg2[%dma_wait3A_60, %dma_wait3A_61] : memref<10000x128xf32, #tpu.memory_space<hbm>> -> memref<64x128xf32, #tpu.memory_space<hbm>>
    tpu.wait_dma2 semaphore(%arg9 : memref<!tpu.dma_semaphore, #tpu.memory_space<semaphore_mem>>) src(%dma_wait3A_62 : memref<64x128xf32, #tpu.memory_space<hbm>>) dst(%dma_wait3A_59 : memref<64x128xf32, #tpu.memory_space<vmem>>)
    %dma_start3A_63 = arith.constant 0 : i32
    %dma_start3A_64 = arith.constant 159 : i32
    %dma_start3A_65 = arith.constant 0 : i32
    %dma_start3A_66 = arith.constant 0 : i32
    %dma_start3A_67 = tpu.memref_slice %arg8[%dma_start3A_63, %dma_start3A_65, %dma_start3A_66] : memref<3x64x128xf32, #tpu.memory_space<vmem>> -> memref<1x64x128xf32, #tpu.memory_space<vmem>>
    %dma_start3A_68 = tpu.memref_squeeze %dma_start3A_67 : memref<1x64x128xf32, #tpu.memory_space<vmem>> -> memref<64x128xf32, #tpu.memory_space<vmem>>
    %dma_start3A_69 = arith.constant 64 : i32
    %dma_start3A_70 = tpu.memref_slice %arg7[%dma_start3A_64, %dma_start3A_69] : memref<160x128xi32, #tpu.memory_space<vmem>> -> memref<1x64xi32, #tpu.memory_space<vmem>>
    %dma_start3A_71 = tpu.memref_squeeze %dma_start3A_70 : memref<1x64xi32, #tpu.memory_space<vmem>> -> memref<64xi32, #tpu.memory_space<vmem>>
    %dma_start3A_72 = arith.constant 0 : i32
    %dma_start3A_73 = arith.constant 0 : i32
    %dma_start3A_74 = tpu.memref_slice %arg6[%dma_start3A_72, %dma_start3A_73] : memref<10240x128xf32, #tpu.memory_space<vmem_shared>> -> memref<10240x128xf32, #tpu.memory_space<vmem_shared>>
    tpu.enqueue_indirect_dma source(%dma_start3A_68 : memref<64x128xf32, #tpu.memory_space<vmem>>) target(%dma_start3A_74 : memref<10240x128xf32, #tpu.memory_space<vmem_shared>>) offsets(%dma_start3A_71 : memref<64xi32, #tpu.memory_space<vmem>>) semaphore(%arg12 : memref<!tpu.dma_semaphore, #tpu.memory_space<semaphore_mem>>) {add = true}
    %dma_wait3A_75 = arith.constant 2 : i32
    %dma_wait3A_76 = arith.constant 0 : i32
    %dma_wait3A_77 = arith.constant 0 : i32
    %dma_wait3A_78 = tpu.memref_slice %arg8[%dma_wait3A_75, %dma_wait3A_76, %dma_wait3A_77] : memref<3x64x128xf32, #tpu.memory_space<vmem>> -> memref<1x64x128xf32, #tpu.memory_space<vmem>>
    %dma_wait3A_79 = tpu.memref_squeeze %dma_wait3A_78 : memref<1x64x128xf32, #tpu.memory_space<vmem>> -> memref<64x128xf32, #tpu.memory_space<vmem>>
    %dma_wait3A_80 = arith.constant 0 : i32
    %dma_wait3A_81 = arith.constant 0 : i32
    %dma_wait3A_82 = tpu.memref_slice %arg6[%dma_wait3A_80, %dma_wait3A_81] : memref<10240x128xf32, #tpu.memory_space<vmem_shared>> -> memref<64x128xf32, #tpu.memory_space<vmem_shared>>
    %dma_wait3A_83 = arith.constant 0 : i32
    %dma_wait3A_84 = arith.constant 0 : i32
    %dma_wait3A_85 = tpu.memref_slice %arg6[%dma_wait3A_83, %dma_wait3A_84] : memref<10240x128xf32, #tpu.memory_space<vmem_shared>> -> memref<64x128xf32, #tpu.memory_space<vmem_shared>>
    %dma_wait3A_86 = arith.constant 0 : i32
    %dma_wait3A_87 = arith.constant 0 : i32
    %dma_wait3A_88 = tpu.memref_slice %arg8[%dma_wait3A_75, %dma_wait3A_86, %dma_wait3A_87] : memref<3x64x128xf32, #tpu.memory_space<vmem>> -> memref<1x64x128xf32, #tpu.memory_space<vmem>>
    %dma_wait3A_89 = tpu.memref_squeeze %dma_wait3A_88 : memref<1x64x128xf32, #tpu.memory_space<vmem>> -> memref<64x128xf32, #tpu.memory_space<vmem>>
    tpu.wait_dma2 semaphore(%arg14 : memref<!tpu.dma_semaphore, #tpu.memory_space<semaphore_mem>>) src(%dma_wait3A_89 : memref<64x128xf32, #tpu.memory_space<vmem>>) dst(%dma_wait3A_85 : memref<64x128xf32, #tpu.memory_space<vmem_shared>>)
    %dma_wait3A_90 = arith.constant 1 : i32
    %dma_wait3A_91 = arith.constant 0 : i32
    %dma_wait3A_92 = arith.constant 0 : i32
    %dma_wait3A_93 = tpu.memref_slice %arg8[%dma_wait3A_90, %dma_wait3A_91, %dma_wait3A_92] : memref<3x64x128xf32, #tpu.memory_space<vmem>> -> memref<1x64x128xf32, #tpu.memory_space<vmem>>
    %dma_wait3A_94 = tpu.memref_squeeze %dma_wait3A_93 : memref<1x64x128xf32, #tpu.memory_space<vmem>> -> memref<64x128xf32, #tpu.memory_space<vmem>>
    %dma_wait3A_95 = arith.constant 0 : i32
    %dma_wait3A_96 = arith.constant 0 : i32
    %dma_wait3A_97 = tpu.memref_slice %arg6[%dma_wait3A_95, %dma_wait3A_96] : memref<10240x128xf32, #tpu.memory_space<vmem_shared>> -> memref<64x128xf32, #tpu.memory_space<vmem_shared>>
    %dma_wait3A_98 = arith.constant 0 : i32
    %dma_wait3A_99 = arith.constant 0 : i32
    %dma_wait3A_100 = tpu.memref_slice %arg6[%dma_wait3A_98, %dma_wait3A_99] : memref<10240x128xf32, #tpu.memory_space<vmem_shared>> -> memref<64x128xf32, #tpu.memory_space<vmem_shared>>
    %dma_wait3A_101 = arith.constant 0 : i32
    %dma_wait3A_102 = arith.constant 0 : i32
    %dma_wait3A_103 = tpu.memref_slice %arg8[%dma_wait3A_90, %dma_wait3A_101, %dma_wait3A_102] : memref<3x64x128xf32, #tpu.memory_space<vmem>> -> memref<1x64x128xf32, #tpu.memory_space<vmem>>
    %dma_wait3A_104 = tpu.memref_squeeze %dma_wait3A_103 : memref<1x64x128xf32, #tpu.memory_space<vmem>> -> memref<64x128xf32, #tpu.memory_space<vmem>>
    tpu.wait_dma2 semaphore(%arg13 : memref<!tpu.dma_semaphore, #tpu.memory_space<semaphore_mem>>) src(%dma_wait3A_104 : memref<64x128xf32, #tpu.memory_space<vmem>>) dst(%dma_wait3A_100 : memref<64x128xf32, #tpu.memory_space<vmem_shared>>)
    %dma_wait3A_105 = arith.constant 0 : i32
    %dma_wait3A_106 = arith.constant 0 : i32
    %dma_wait3A_107 = arith.constant 0 : i32
    %dma_wait3A_108 = tpu.memref_slice %arg8[%dma_wait3A_105, %dma_wait3A_106, %dma_wait3A_107] : memref<3x64x128xf32, #tpu.memory_space<vmem>> -> memref<1x64x128xf32, #tpu.memory_space<vmem>>
    %dma_wait3A_109 = tpu.memref_squeeze %dma_wait3A_108 : memref<1x64x128xf32, #tpu.memory_space<vmem>> -> memref<64x128xf32, #tpu.memory_space<vmem>>
    %dma_wait3A_110 = arith.constant 0 : i32
    %dma_wait3A_111 = arith.constant 0 : i32
    %dma_wait3A_112 = tpu.memref_slice %arg6[%dma_wait3A_110, %dma_wait3A_111] : memref<10240x128xf32, #tpu.memory_space<vmem_shared>> -> memref<64x128xf32, #tpu.memory_space<vmem_shared>>
    %dma_wait3A_113 = arith.constant 0 : i32
    %dma_wait3A_114 = arith.constant 0 : i32
    %dma_wait3A_115 = tpu.memref_slice %arg6[%dma_wait3A_113, %dma_wait3A_114] : memref<10240x128xf32, #tpu.memory_space<vmem_shared>> -> memref<64x128xf32, #tpu.memory_space<vmem_shared>>
    %dma_wait3A_116 = arith.constant 0 : i32
    %dma_wait3A_117 = arith.constant 0 : i32
    %dma_wait3A_118 = tpu.memref_slice %arg8[%dma_wait3A_105, %dma_wait3A_116, %dma_wait3A_117] : memref<3x64x128xf32, #tpu.memory_space<vmem>> -> memref<1x64x128xf32, #tpu.memory_space<vmem>>
    %dma_wait3A_119 = tpu.memref_squeeze %dma_wait3A_118 : memref<1x64x128xf32, #tpu.memory_space<vmem>> -> memref<64x128xf32, #tpu.memory_space<vmem>>
    tpu.wait_dma2 semaphore(%arg12 : memref<!tpu.dma_semaphore, #tpu.memory_space<semaphore_mem>>) src(%dma_wait3A_119 : memref<64x128xf32, #tpu.memory_space<vmem>>) dst(%dma_wait3A_115 : memref<64x128xf32, #tpu.memory_space<vmem_shared>>)
    %barrier3A_120 = arith.constant 0 : index
    tpu.barrier barrier_id(%barrier3A_120)
    "tpu.region"() ({
      %run_scoped3A = tpu.sem_alloc : memref<!tpu.dma_semaphore, #tpu.memory_space<semaphore_mem>>
      %dma_start3A_121 = arith.constant 0 : i32
      %dma_start3A_122 = arith.constant 0 : i32
      %dma_start3A_123 = tpu.memref_slice %arg5[%arg0, %dma_start3A_121, %dma_start3A_122] : memref<2x10240x128xf32, #tpu.memory_space<hbm>> -> memref<1x10240x128xf32, #tpu.memory_space<hbm>>
      %dma_start3A_124 = tpu.memref_squeeze %dma_start3A_123 : memref<1x10240x128xf32, #tpu.memory_space<hbm>> -> memref<10240x128xf32, #tpu.memory_space<hbm>>
      %dma_start3A_125 = arith.constant 0 : i32
      %dma_start3A_126 = tpu.memref_slice %dma_start3A_124[%mul3A_0, %dma_start3A_125] : memref<10240x128xf32, #tpu.memory_space<hbm>> -> memref<640x128xf32, #tpu.memory_space<hbm>>
      %dma_start3A_127 = arith.constant 0 : i32
      %dma_start3A_128 = tpu.memref_slice %arg6[%mul3A_0, %dma_start3A_127] : memref<10240x128xf32, #tpu.memory_space<vmem_shared>> -> memref<640x128xf32, #tpu.memory_space<vmem_shared>>
      tpu.enqueue_dma source(%dma_start3A_128 : memref<640x128xf32, #tpu.memory_space<vmem_shared>>) target(%dma_start3A_126 : memref<640x128xf32, #tpu.memory_space<hbm>>) target_semaphore(%run_scoped3A : memref<!tpu.dma_semaphore, #tpu.memory_space<semaphore_mem>>)
      %dma_wait3A_129 = arith.constant 0 : i32
      %dma_wait3A_130 = arith.constant 0 : i32
      %dma_wait3A_131 = tpu.memref_slice %arg5[%arg0, %dma_wait3A_129, %dma_wait3A_130] : memref<2x10240x128xf32, #tpu.memory_space<hbm>> -> memref<1x10240x128xf32, #tpu.memory_space<hbm>>
      %dma_wait3A_132 = tpu.memref_squeeze %dma_wait3A_131 : memref<1x10240x128xf32, #tpu.memory_space<hbm>> -> memref<10240x128xf32, #tpu.memory_space<hbm>>
      %dma_wait3A_133 = arith.constant 0 : i32
      %dma_wait3A_134 = tpu.memref_slice %dma_wait3A_132[%mul3A_0, %dma_wait3A_133] : memref<10240x128xf32, #tpu.memory_space<hbm>> -> memref<640x128xf32, #tpu.memory_space<hbm>>
      %dma_wait3A_135 = arith.constant 0 : i32
      %dma_wait3A_136 = tpu.memref_slice %arg6[%mul3A_0, %dma_wait3A_135] : memref<10240x128xf32, #tpu.memory_space<vmem_shared>> -> memref<640x128xf32, #tpu.memory_space<vmem_shared>>
      tpu.wait_dma2 semaphore(%run_scoped3A : memref<!tpu.dma_semaphore, #tpu.memory_space<semaphore_mem>>) src(%dma_wait3A_136 : memref<640x128xf32, #tpu.memory_space<vmem_shared>>) dst(%dma_wait3A_134 : memref<640x128xf32, #tpu.memory_space<hbm>>)
      tpu.yield
    }) : () -> ()
    return
  }
}

module attributes {stable_mosaic.version = 14 : i64} {
  func.func @_tc_prep_body(%arg0: memref<2x320000xi32, #tpu.memory_space<vmem>>, %arg1: memref<2x60x128xi32, #tpu.memory_space<vmem>>, %arg2: memref<5120x128xi32, #tpu.memory_space<vmem>>, %arg3: memref<2560x128xi32, #tpu.memory_space<vmem>>) attributes {dimension_semantics = [], scalar_prefetch = 0 : i64, scratch_operands = 0 : i64, tpu.core_type = #tpu.core_type<tc>} {
    %get3A = arith.constant 0 : index
    %get3A_0 = arith.constant 0 : index
    %get3A_1 = vector.load %arg0[%get3A, %get3A_0] : memref<2x320000xi32, #tpu.memory_space<vmem>>, vector<2x320000xi32>
    %reshape3A = vector.shape_cast %get3A_1 : vector<2x320000xi32> to vector<2x2500x128xi32>
    %slice3A = vector.extract_strided_slice %reshape3A {offsets = [0, 0, 0], sizes = [1, 2500, 128], strides = [1, 1, 1]} : vector<2x2500x128xi32> to vector<1x2500x128xi32>
    %squeeze3A = vector.shape_cast %slice3A : vector<1x2500x128xi32> to vector<2500x128xi32>
    %get3A_2 = arith.constant 0 : index
    %get3A_3 = arith.constant 0 : index
    %get3A_4 = arith.constant 0 : index
    %get3A_5 = vector.load %arg1[%get3A_2, %get3A_3, %get3A_4] : memref<2x60x128xi32, #tpu.memory_space<vmem>>, vector<1x60x128xi32>
    %get3A_6 = vector.shape_cast %get3A_5 : vector<1x60x128xi32> to vector<60x128xi32>
    %concatenate3A = tpu.concatenate %squeeze3A, %get3A_6 in 0 : vector<2500x128xi32>, vector<60x128xi32> -> vector<2560x128xi32>
    %slice3A_7 = vector.extract_strided_slice %reshape3A {offsets = [1, 0, 0], sizes = [1, 2500, 128], strides = [1, 1, 1]} : vector<2x2500x128xi32> to vector<1x2500x128xi32>
    %squeeze3A_8 = vector.shape_cast %slice3A_7 : vector<1x2500x128xi32> to vector<2500x128xi32>
    %get3A_9 = arith.constant 1 : index
    %get3A_10 = arith.constant 0 : index
    %get3A_11 = arith.constant 0 : index
    %get3A_12 = vector.load %arg1[%get3A_9, %get3A_10, %get3A_11] : memref<2x60x128xi32, #tpu.memory_space<vmem>>, vector<1x60x128xi32>
    %get3A_13 = vector.shape_cast %get3A_12 : vector<1x60x128xi32> to vector<60x128xi32>
    %concatenate3A_14 = tpu.concatenate %squeeze3A_8, %get3A_13 in 0 : vector<2500x128xi32>, vector<60x128xi32> -> vector<2560x128xi32>
    %reshape3A_15 = vector.shape_cast %concatenate3A : vector<2560x128xi32> to vector<2560x2x64xi32>
    %reshape3A_16 = vector.shape_cast %concatenate3A_14 : vector<2560x128xi32> to vector<2560x2x64xi32>
    %concatenate3A_17 = tpu.concatenate %reshape3A_15, %reshape3A_16 in 2 : vector<2560x2x64xi32>, vector<2560x2x64xi32> -> vector<2560x2x128xi32>
    %reshape3A_18 = vector.shape_cast %concatenate3A_17 : vector<2560x2x128xi32> to vector<5120x128xi32>
    %swap3A = arith.constant 0 : index
    %swap3A_19 = arith.constant 0 : index
    %swap3A_20 = vector.load %arg2[%swap3A, %swap3A_19] : memref<5120x128xi32, #tpu.memory_space<vmem>>, vector<5120x128xi32>
    tpu.vector_store %arg2[%swap3A, %swap3A_19], %reshape3A_18 {strides = array<i32>} : memref<5120x128xi32, #tpu.memory_space<vmem>>, vector<5120x128xi32>,
    %swap3A_21 = arith.constant 0 : index
    %swap3A_22 = arith.constant 0 : index
    %swap3A_23 = vector.load %arg3[%swap3A_21, %swap3A_22] : memref<2560x128xi32, #tpu.memory_space<vmem>>, vector<2560x128xi32>
    tpu.vector_store %arg3[%swap3A_21, %swap3A_22], %concatenate3A_14 {strides = array<i32>} : memref<2560x128xi32, #tpu.memory_space<vmem>>, vector<2560x128xi32>,
    return
  }
}

module attributes {stable_mosaic.version = 14 : i64} {
  func.func @_tc_m1_body(%arg0: memref<10000x128xf32, #tpu.memory_space<vmem>>, %arg1: memref<128x128xf32, #tpu.memory_space<vmem>>, %arg2: memref<2x10240x8xf32, #tpu.memory_space<vmem>>, %arg3: memref<10000x128xf32, #tpu.memory_space<vmem>>) attributes {dimension_semantics = [], scalar_prefetch = 0 : i64, scratch_operands = 0 : i64, tpu.core_type = #tpu.core_type<tc>} {
    %get3A = arith.constant 0 : index
    %get3A_0 = arith.constant 0 : index
    %get3A_1 = arith.constant 0 : index
    %get3A_2 = vector.load %arg2[%get3A, %get3A_0, %get3A_1] : memref<2x10240x8xf32, #tpu.memory_space<vmem>>, vector<1x10240x1xf32>
    %get3A_3 = vector.shape_cast %get3A_2 : vector<1x10240x1xf32> to vector<10240x1xf32>
    %get3A_4 = arith.constant 1 : index
    %get3A_5 = arith.constant 0 : index
    %get3A_6 = arith.constant 0 : index
    %get3A_7 = vector.load %arg2[%get3A_4, %get3A_5, %get3A_6] : memref<2x10240x8xf32, #tpu.memory_space<vmem>>, vector<1x10240x1xf32>
    %get3A_8 = vector.shape_cast %get3A_7 : vector<1x10240x1xf32> to vector<10240x1xf32>
    %add3A = arith.addf %get3A_3, %get3A_8 : vector<10240x1xf32>
    %add3A_9 = arith.constant 1.000000e+00 : f32
    %add3A_10 = vector.broadcast %add3A_9 : f32 to vector<10240x1xf32>
    %add3A_11 = arith.addf %add3A, %add3A_10 : vector<10240x1xf32>
    %rsqrt3A = math.rsqrt %add3A_11 : vector<10240x1xf32>
    %slice3A = vector.extract_strided_slice %rsqrt3A {offsets = [0, 0], sizes = [10000, 1], strides = [1, 1]} : vector<10240x1xf32> to vector<10000x1xf32>
    %get3A_12 = arith.constant 0 : index
    %get3A_13 = arith.constant 0 : index
    %get3A_14 = vector.load %arg0[%get3A_12, %get3A_13] : memref<10000x128xf32, #tpu.memory_space<vmem>>, vector<10000x128xf32>
    %get3A_15 = arith.constant 0 : index
    %get3A_16 = arith.constant 0 : index
    %get3A_17 = vector.load %arg1[%get3A_15, %get3A_16] : memref<128x128xf32, #tpu.memory_space<vmem>>, vector<128x128xf32>
    %dot_general3A = arith.constant dense<0.000000e+00> : vector<10000x128xf32>
    %dot_general3A_18 = tpu.matmul %get3A_14, %get3A_17, %dot_general3A {dimension_numbers = #tpu.dot_dimension_numbers<[1], [0], [0], [1], [0, 0, 1, 1], [], []>, transpose_lhs_hint = false} : vector<10000x128xf32>, vector<128x128xf32>, vector<10000x128xf32> -> vector<10000x128xf32>
    %mul3A = vector.broadcast %slice3A : vector<10000x1xf32> to vector<10000x128xf32>
    %mul3A_19 = arith.mulf %dot_general3A_18, %mul3A : vector<10000x128xf32>
    %swap3A = arith.constant 0 : index
    %swap3A_20 = arith.constant 0 : index
    %swap3A_21 = vector.load %arg3[%swap3A, %swap3A_20] : memref<10000x128xf32, #tpu.memory_space<vmem>>, vector<10000x128xf32>
    tpu.vector_store %arg3[%swap3A, %swap3A_20], %mul3A_19 {strides = array<i32>} : memref<10000x128xf32, #tpu.memory_space<vmem>>, vector<10000x128xf32>,
    return
  }
}

module attributes {stable_mosaic.version = 14 : i64} {
  func.func @_tc_m2_body(%arg0: memref<2x10240x128xf32, #tpu.memory_space<vmem>>, %arg1: memref<2x10240x8xf32, #tpu.memory_space<vmem>>, %arg2: memref<128xf32, #tpu.memory_space<vmem>>, %arg3: memref<128x128xf32, #tpu.memory_space<vmem>>, %arg4: memref<10000x128xf32, #tpu.memory_space<vmem>>) attributes {dimension_semantics = [], scalar_prefetch = 0 : i64, scratch_operands = 0 : i64, tpu.core_type = #tpu.core_type<tc>} {
    %get3A = arith.constant 0 : index
    %get3A_0 = arith.constant 0 : index
    %get3A_1 = arith.constant 0 : index
    %get3A_2 = vector.load %arg1[%get3A, %get3A_0, %get3A_1] : memref<2x10240x8xf32, #tpu.memory_space<vmem>>, vector<1x10240x1xf32>
    %get3A_3 = vector.shape_cast %get3A_2 : vector<1x10240x1xf32> to vector<10240x1xf32>
    %get3A_4 = arith.constant 1 : index
    %get3A_5 = arith.constant 0 : index
    %get3A_6 = arith.constant 0 : index
    %get3A_7 = vector.load %arg1[%get3A_4, %get3A_5, %get3A_6] : memref<2x10240x8xf32, #tpu.memory_space<vmem>>, vector<1x10240x1xf32>
    %get3A_8 = vector.shape_cast %get3A_7 : vector<1x10240x1xf32> to vector<10240x1xf32>
    %add3A = arith.addf %get3A_3, %get3A_8 : vector<10240x1xf32>
    %add3A_9 = arith.constant 1.000000e+00 : f32
    %add3A_10 = vector.broadcast %add3A_9 : f32 to vector<10240x1xf32>
    %add3A_11 = arith.addf %add3A, %add3A_10 : vector<10240x1xf32>
    %rsqrt3A = math.rsqrt %add3A_11 : vector<10240x1xf32>
    %slice3A = vector.extract_strided_slice %rsqrt3A {offsets = [0, 0], sizes = [10000, 1], strides = [1, 1]} : vector<10240x1xf32> to vector<10000x1xf32>
    %get3A_12 = arith.constant 0 : index
    %get3A_13 = arith.constant 0 : index
    %get3A_14 = arith.constant 0 : index
    %get3A_15 = vector.load %arg0[%get3A_12, %get3A_13, %get3A_14] : memref<2x10240x128xf32, #tpu.memory_space<vmem>>, vector<1x10000x128xf32>
    %get3A_16 = vector.shape_cast %get3A_15 : vector<1x10000x128xf32> to vector<10000x128xf32>
    %get3A_17 = arith.constant 1 : index
    %get3A_18 = arith.constant 0 : index
    %get3A_19 = arith.constant 0 : index
    %get3A_20 = vector.load %arg0[%get3A_17, %get3A_18, %get3A_19] : memref<2x10240x128xf32, #tpu.memory_space<vmem>>, vector<1x10000x128xf32>
    %get3A_21 = vector.shape_cast %get3A_20 : vector<1x10000x128xf32> to vector<10000x128xf32>
    %add3A_22 = arith.addf %get3A_16, %get3A_21 : vector<10000x128xf32>
    %mul3A = vector.broadcast %slice3A : vector<10000x1xf32> to vector<10000x128xf32>
    %mul3A_23 = arith.mulf %mul3A, %add3A_22 : vector<10000x128xf32>
    %get3A_24 = arith.constant 0 : index
    %get3A_25 = vector.load %arg2[%get3A_24] : memref<128xf32, #tpu.memory_space<vmem>>, vector<128xf32>
    %broadcast_in_dim3A = vector.shape_cast %get3A_25 : vector<128xf32> to vector<1x128xf32>
    %add3A_26 = vector.broadcast %broadcast_in_dim3A : vector<1x128xf32> to vector<10000x128xf32>
    %add3A_27 = arith.addf %mul3A_23, %add3A_26 : vector<10000x128xf32>
    %max3A = arith.constant 0.000000e+00 : f32
    %max3A_28 = vector.broadcast %max3A : f32 to vector<10000x128xf32>
    %max3A_29 = arith.maximumf %add3A_27, %max3A_28 : vector<10000x128xf32>
    %get3A_30 = arith.constant 0 : index
    %get3A_31 = arith.constant 0 : index
    %get3A_32 = vector.load %arg3[%get3A_30, %get3A_31] : memref<128x128xf32, #tpu.memory_space<vmem>>, vector<128x128xf32>
    %dot_general3A = arith.constant dense<0.000000e+00> : vector<10000x128xf32>
    %dot_general3A_33 = tpu.matmul %max3A_29, %get3A_32, %dot_general3A {dimension_numbers = #tpu.dot_dimension_numbers<[1], [0], [0], [1], [0, 0, 1, 1], [], []>, transpose_lhs_hint = false} : vector<10000x128xf32>, vector<128x128xf32>, vector<10000x128xf32> -> vector<10000x128xf32>
    %mul3A_34 = vector.broadcast %slice3A : vector<10000x1xf32> to vector<10000x128xf32>
    %mul3A_35 = arith.mulf %dot_general3A_33, %mul3A_34 : vector<10000x128xf32>
    %swap3A = arith.constant 0 : index
    %swap3A_36 = arith.constant 0 : index
    %swap3A_37 = vector.load %arg4[%swap3A, %swap3A_36] : memref<10000x128xf32, #tpu.memory_space<vmem>>, vector<10000x128xf32>
    tpu.vector_store %arg4[%swap3A, %swap3A_36], %mul3A_35 {strides = array<i32>} : memref<10000x128xf32, #tpu.memory_space<vmem>>, vector<10000x128xf32>,
    return
  }
}

module attributes {stable_mosaic.version = 14 : i64} {
  func.func @_tc_out_body(%arg0: memref<2x10240x128xf32, #tpu.memory_space<vmem>>, %arg1: memref<2x10240x8xf32, #tpu.memory_space<vmem>>, %arg2: memref<64xf32, #tpu.memory_space<vmem>>, %arg3: memref<64xf32, #tpu.memory_space<vmem>>, %arg4: memref<10000x64xf32, #tpu.memory_space<vmem>>, %arg5: memref<10000x64xf32, #tpu.memory_space<vmem>>) attributes {dimension_semantics = [], scalar_prefetch = 0 : i64, scratch_operands = 0 : i64, tpu.core_type = #tpu.core_type<tc>} {
    %get3A = arith.constant 0 : index
    %get3A_0 = arith.constant 0 : index
    %get3A_1 = arith.constant 0 : index
    %get3A_2 = vector.load %arg1[%get3A, %get3A_0, %get3A_1] : memref<2x10240x8xf32, #tpu.memory_space<vmem>>, vector<1x10240x1xf32>
    %get3A_3 = vector.shape_cast %get3A_2 : vector<1x10240x1xf32> to vector<10240x1xf32>
    %get3A_4 = arith.constant 1 : index
    %get3A_5 = arith.constant 0 : index
    %get3A_6 = arith.constant 0 : index
    %get3A_7 = vector.load %arg1[%get3A_4, %get3A_5, %get3A_6] : memref<2x10240x8xf32, #tpu.memory_space<vmem>>, vector<1x10240x1xf32>
    %get3A_8 = vector.shape_cast %get3A_7 : vector<1x10240x1xf32> to vector<10240x1xf32>
    %add3A = arith.addf %get3A_3, %get3A_8 : vector<10240x1xf32>
    %add3A_9 = arith.constant 1.000000e+00 : f32
    %add3A_10 = vector.broadcast %add3A_9 : f32 to vector<10240x1xf32>
    %add3A_11 = arith.addf %add3A, %add3A_10 : vector<10240x1xf32>
    %rsqrt3A = math.rsqrt %add3A_11 : vector<10240x1xf32>
    %slice3A = vector.extract_strided_slice %rsqrt3A {offsets = [0, 0], sizes = [10000, 1], strides = [1, 1]} : vector<10240x1xf32> to vector<10000x1xf32>
    %get3A_12 = arith.constant 0 : index
    %get3A_13 = arith.constant 0 : index
    %get3A_14 = arith.constant 0 : index
    %get3A_15 = vector.load %arg0[%get3A_12, %get3A_13, %get3A_14] : memref<2x10240x128xf32, #tpu.memory_space<vmem>>, vector<1x10000x128xf32>
    %get3A_16 = vector.shape_cast %get3A_15 : vector<1x10000x128xf32> to vector<10000x128xf32>
    %get3A_17 = arith.constant 1 : index
    %get3A_18 = arith.constant 0 : index
    %get3A_19 = arith.constant 0 : index
    %get3A_20 = vector.load %arg0[%get3A_17, %get3A_18, %get3A_19] : memref<2x10240x128xf32, #tpu.memory_space<vmem>>, vector<1x10000x128xf32>
    %get3A_21 = vector.shape_cast %get3A_20 : vector<1x10000x128xf32> to vector<10000x128xf32>
    %add3A_22 = arith.addf %get3A_16, %get3A_21 : vector<10000x128xf32>
    %mul3A = vector.broadcast %slice3A : vector<10000x1xf32> to vector<10000x128xf32>
    %mul3A_23 = arith.mulf %mul3A, %add3A_22 : vector<10000x128xf32>
    %slice3A_24 = vector.extract_strided_slice %mul3A_23 {offsets = [0, 0], sizes = [10000, 64], strides = [1, 1]} : vector<10000x128xf32> to vector<10000x64xf32>
    %get3A_25 = arith.constant 0 : index
    %get3A_26 = vector.load %arg2[%get3A_25] : memref<64xf32, #tpu.memory_space<vmem>>, vector<64xf32>
    %broadcast_in_dim3A = vector.shape_cast %get3A_26 : vector<64xf32> to vector<1x64xf32>
    %add3A_27 = vector.broadcast %broadcast_in_dim3A : vector<1x64xf32> to vector<10000x64xf32>
    %add3A_28 = arith.addf %slice3A_24, %add3A_27 : vector<10000x64xf32>
    %swap3A = arith.constant 0 : index
    %swap3A_29 = arith.constant 0 : index
    %swap3A_30 = vector.load %arg4[%swap3A, %swap3A_29] : memref<10000x64xf32, #tpu.memory_space<vmem>>, vector<10000x64xf32>
    tpu.vector_store %arg4[%swap3A, %swap3A_29], %add3A_28 {strides = array<i32>} : memref<10000x64xf32, #tpu.memory_space<vmem>>, vector<10000x64xf32>,
    %slice3A_31 = vector.extract_strided_slice %mul3A_23 {offsets = [0, 64], sizes = [10000, 64], strides = [1, 1]} : vector<10000x128xf32> to vector<10000x64xf32>
    %get3A_32 = arith.constant 0 : index
    %get3A_33 = vector.load %arg3[%get3A_32] : memref<64xf32, #tpu.memory_space<vmem>>, vector<64xf32>
    %broadcast_in_dim3A_34 = vector.shape_cast %get3A_33 : vector<64xf32> to vector<1x64xf32>
    %add3A_35 = vector.broadcast %broadcast_in_dim3A_34 : vector<1x64xf32> to vector<10000x64xf32>
    %add3A_36 = arith.addf %slice3A_31, %add3A_35 : vector<10000x64xf32>
    %swap3A_37 = arith.constant 0 : index
    %swap3A_38 = arith.constant 0 : index
    %swap3A_39 = vector.load %arg5[%swap3A_37, %swap3A_38] : memref<10000x64xf32, #tpu.memory_space<vmem>>, vector<10000x64xf32>
    tpu.vector_store %arg5[%swap3A_37, %swap3A_38], %add3A_36 {strides = array<i32>} : memref<10000x64xf32, #tpu.memory_space<vmem>>, vector<10000x64xf32>,
    return
  }
}

</mosaic_0001>

<sc_bundles>
// kernel: kernel.12.cloned.1.call-start
scs
__scs_entry_jumppad:
0x0: {  	(pc) =	sbr.rel $0x88, $3  }
0x1: {  	(tag) =	ssettag $0x0;
	lr =	simm.s32 $0x1  }
0x2: {  	[smem:$0x3F99] =	sst lr;
	_ =	strace $0xD0000000  }
0x3: {  	_ = 	snop  }
0x4: {  	_ = 	snop  }
0x5: {  	_ = 	snop  }
0x6: {  	_ = 	snop  }
0x7: {  	_ = 	snop  }
__scs_overlays_trampoline_lowered:
0x8: {  	[smem:$0x3FA8] =	sst s0  }
0x9: {  	[smem:$0x3FA9] =	sst s1  }
0xa: {  	[smem:$0x3FAA] =	sst s2  }
0xb: {  	[smem:$0x3FAB] =	sst s3  }
0xc: {  	[smem:$0x3FAC] =	sst s4  }
0xd: {  	[smem:$0x3FAD] =	sst s5  }
0xe: {  	[smem:$0x3FAE] =	sst s6  }
0xf: {  	[smem:$0x3FAF] =	sst s7  }
0x10: {  	[smem:$0x3FB0] =	sst s8  }
0x11: {  	[smem:$0x3FB1] =	sst s9;
	s0 =	simm.s32 @!p0 $0x0  }
0x12: {  	s1 =	sld [smem:$0x3F97];
	s0 =	simm.s32 @p0 $0x1  }
0x13: {  	[smem:$0x3FB2] =	sst s0;
	s0 =	simm.s32 @!p1 $0x0  }
0x14: {  	s2 =	sld [smem:$0x3F96];
	s0 =	simm.s32 @p1 $0x1  }
0x15: {  	[smem:$0x3FB3] =	sst s0;
	s0 =	simm.s32 @!p2 $0x0  }
0x16: {  	s3 =	sld [smem:$0x3FDB];
	s0 =	simm.s32 @p2 $0x1  }
0x17: {  	s4 =	simm.s32 $0x1BF5;
	[smem:$0x3FB5] =	sst s0  }
0x18: {  	s0 =	sld [smem:$0x3F98];
	_ =	swait.ge [sflag:s4], $0x0  }
0x19: {  	s7 =	sld [smem:$0x3F99]  }
0x1a: {  	s8 =	sadd.s32 $0xFFFFE003, lr  }
0x1b: {  	s9 =	sadd.s32 $0xFFFFFEF7, lr;
	s5 =	simm.s32 $0xFFFFFFFF;
	p2 =	slt.u32 s8, $0xFFFFF086  }
0x1c: {  	p1 =	slt.u32 s9, $0xF7A;
	s5 =	simm.s32 @!p2 $0x0  }
0x1d: {  	s5 =	simm.s32 @p1 $0x1;
	p0 =	seq.s32 s7, s2  }
0x1e: {  	s7 =	smul.u32 @!p0 $0xF7A, s2;
	p2 =	seq.s32 @!p0 s5, $0x0  }
0x1f: {  	s9 =	smul.u32 $0xF7A, s1;
	s8 =	simm.s32 @!p0 $0x1BF5;
	p2 =	por !p2, p0  }
0x20: {  	[sflag:s8] =	ssyncset.s32 @!p0 $0xFFFFF086;
	s6 =	sadd.s32 @!p0 s3, s7;
	s7 =	simm.s32 @!p0 $0x108  }
0x21: {  	s3 =	sadd.s32 s3, s9;
	s6 =	sadd.s32 @!p0 $0x88, s6;
	s7 =	simm.s32 @p2 $0x1082  }
0x22: {  	[simem:s7], [sflag:s8] =	dma.local @!p0 [hbm:s6], $0xF7A  }
0x23: {  	s9 =	sor.u32 $0xD0000000, s2;
	s6 =	simm.s32 $0x108;
	_ =	swait.ge @!p0 [sflag:s8], $0x0  }
0x24: {  	s3 =	sadd.s32 $0x88, s3;
	s6 =	simm.s32 @!p1 $0x1082;
	[sflag:s4] =	ssyncset.s32 $0xFFFFF086  }
0x25: {  	[simem:s6], [sflag:s4] =	dma.local [hbm:s3], $0xF7A  }
0x26: {  	[smem:$0x3F99] =	sst s1;
	(tag) =	ssettag s2;
	_ =	strace s9  }
0x27: {  	s1 =	sld [smem:$0x3FA9]  }
0x28: {  	s2 =	sld [smem:$0x3FAA]  }
0x29: {  	s4 =	sld [smem:$0x3FAC]  }
0x2a: {  	p0 =	seq.s32 s5, $0x0;
	s5 =	sld [smem:$0x3FAD]  }
0x2b: {  	s6 =	sld [smem:$0x3FAE]  }
0x2c: {  	s7 =	sld [smem:$0x3FAF]  }
0x2d: {  	s3 =	simm.s32 $0x108;
	s8 =	sld [smem:$0x3FB0]  }
0x2e: {  	s3 =	simm.s32 @!p0 $0x1082;
	s9 =	sld [smem:$0x3FB1]  }
0x2f: {  	lr =	sadd.s32 s0, s3;
	s0 =	sld [smem:$0x3FA8]  }
0x30: {  	s3 =	sld [smem:$0x3FAB]  }
0x31: {  	[smem:$0x3FB4] =	sst s10  }
0x32: {  	s10 =	sld [smem:$0x3FB2];
	_ =	sdelay $0x3  }
0x33: {  	p0 =	seq.s32 s10, $0x1;
	s10 =	sld [smem:$0x3FB4];
	_ =	sdelay $0x3  }
0x34: {  	[smem:$0x3FB4] =	sst s10  }
0x35: {  	s10 =	sld [smem:$0x3FB3];
	_ =	sdelay $0x3  }
0x36: {  	p1 =	seq.s32 s10, $0x1;
	s10 =	sld [smem:$0x3FB4];
	_ =	sdelay $0x3  }
0x37: {  	[smem:$0x3FB4] =	sst s10  }
0x38: {  	s10 =	sld [smem:$0x3FB5]  }
0x39: {  	_ = 	snop;
	(pc) =	sbr.ind lr, $3  }
0x3a: {  	_ = 	snop  }
0x3b: {  	_ = 	snop  }
0x3c: {  	p2 =	seq.s32 s10, $0x1;
	s10 =	sld [smem:$0x3FB4]  }
0x3d: {  	_ =	shalt  }
0x3e: {  	_ =	shalt  }
0x3f: {  	_ =	shalt  }
0x40: {  	_ =	shalt  }
0x41: {  	_ =	shalt  }
0x42: {  	_ =	shalt  }
0x43: {  	_ =	shalt  }
0x44: {  	_ =	shalt  }
0x45: {  	_ =	shalt  }
0x46: {  	_ =	shalt  }
0x47: {  	_ =	shalt  }
0x48: {  	_ =	shalt  }
0x49: {  	_ =	shalt  }
0x4a: {  	_ =	shalt  }
0x4b: {  	_ =	shalt  }
0x4c: {  	_ =	shalt  }
0x4d: {  	_ =	shalt  }
0x4e: {  	_ =	shalt  }
0x4f: {  	_ =	shalt  }
0x50: {  	_ =	shalt  }
0x51: {  	_ =	shalt  }
0x52: {  	_ =	shalt  }
0x53: {  	_ =	shalt  }
0x54: {  	_ =	shalt  }
0x55: {  	_ =	shalt  }
0x56: {  	_ =	shalt  }
0x57: {  	_ =	shalt  }
0x58: {  	_ =	shalt  }
0x59: {  	_ =	shalt  }
0x5a: {  	_ =	shalt  }
0x5b: {  	_ =	shalt  }
0x5c: {  	_ =	shalt  }
0x5d: {  	_ =	shalt  }
0x5e: {  	_ =	shalt  }
0x5f: {  	_ =	shalt  }
0x60: {  	_ =	shalt  }
0x61: {  	_ =	shalt  }
0x62: {  	_ =	shalt  }
0x63: {  	_ =	shalt  }
0x64: {  	_ =	shalt  }
0x65: {  	_ =	shalt  }
0x66: {  	_ =	shalt  }
0x67: {  	_ =	shalt  }
0x68: {  	_ =	shalt  }
0x69: {  	_ =	shalt  }
0x6a: {  	_ =	shalt  }
0x6b: {  	_ =	shalt  }
0x6c: {  	_ =	shalt  }
0x6d: {  	_ =	shalt  }
0x6e: {  	_ =	shalt  }
0x6f: {  	_ =	shalt  }
0x70: {  	_ =	shalt  }
0x71: {  	_ =	shalt  }
0x72: {  	_ =	shalt  }
0x73: {  	_ =	shalt  }
0x74: {  	_ =	shalt  }
0x75: {  	_ =	shalt  }
0x76: {  	_ =	shalt  }
0x77: {  	_ =	shalt  }
0x78: {  	_ =	shalt  }
0x79: {  	_ =	shalt  }
0x7a: {  	_ =	shalt  }
0x7b: {  	_ =	shalt  }
0x7c: {  	_ =	shalt  }
0x7d: {  	_ =	shalt  }
0x7e: {  	_ =	shalt  }
0x7f: {  	_ =	shalt  }
0x80: {  	_ =	shalt  }
0x81: {  	_ =	shalt  }
0x82: {  	_ =	shalt  }
0x83: {  	_ =	shalt  }
0x84: {  	_ =	shalt  }
0x85: {  	_ =	shalt  }
0x86: {  	_ =	shalt  }
0x87: {  	_ =	shalt  }
.Lfunc_end0:
.L_simem_size_0:
called_computation.1_lowered:
.L_overlay_start_0:
0x88: {  	s2 =	sld [smem:$0x3FD9]  }
0x89: {  	s3 =	sld [smem:$0x3FFE];
	_ =	sdelay $0x1  }
0x8a: {  	s1 =	srdreg.scid  }
0x8b: {  	s0 =	sand.u32 $0x1, s1  }
0x8c: {  	s16 =	sshll.u32 s0, $0xA;
	s2 =	sadd.s32 s3, s2  }
0x8d: {  	s2 =	sadd.s32 s2, s16  }
0x8e: {  	[smem:$0x3FC0] =	sst s2  }
0x8f: {  	_ = 	snop  }
0x90: {  	(tm) =	ssettm $0x1  }
0x91: {  	s17 =	sld [smem:$0x3FFB];
	_ =	sdelay $0x3  }
0x92: {  	_ =	strace s17  }
0x93: {  	s2 =	sld [smem:$0x3FFC];
	_ =	sdelay $0x3  }
0x94: {  	_ =	strace s2  }
0x95: {  	s2 =	sld [smem:$0x3FFD];
	_ =	sdelay $0x3  }
0x96: {  	_ =	strace s2  }
0x97: {  	_ =	strace $0x8FFFFFFF  }
0x98: {  	s18 =	sld [smem:$0x3FDB];
	_ =	sdelay $0x1  }
0x99: {  	s19 =	simm.s32 $_scs_section_size  }
0x9a: {  	s4 =	simm.s32 $_size__tile_overlayer_lowered;
	s5 =	simm.s32 $_tile_overlayer_lowered  }
0x9b: {  	s22 =	simm.s32 $0x1BFF;
	s21 =	sshll.u32 s5, $0x1;
	s2 =	sadd.s32 s19, s18  }
0x9c: {  	s6 =	simm.s32 $0x0;
	s20 =	sshll.u32 s4, $0x1;
	s4 =	sadd.s32 s21, s2  }
0x9d: {  	[timem:s6], [sflag:s22] =	dma.local [hbm:s4], s20  }
0x9e: {  	_ =	swait.ge [sflag:s22], s20  }
0x9f: {  	s3 =	ssub.s32 $0x0, s20;
	[sflag:s22] =	ssyncset.done $0x0  }
0xa0: {  	[sflag:s22] =	ssyncadd.s32 s3;
	_ =	sdelay $0x1  }
0xa1: {  	s23 =	simm.s32 $0x1B8B  }
0xa2: {  	_ =	swait.ge [sflag:s23], $0x1  }
0xa3: {  	[sflag:s23] =	ssyncset.done $0x0  }
0xa4: {  	s25 =	simm.s32 $0x1B8E;
	s24 =	sld [smem:$0x3FFE];
	[sflag:s23] =	ssyncadd.s32 $0xFFFFFFFF  }
0xa5: {  	s26 =	simm.s32 $execute0_lowered;
	[smem:$0x3FD2] =	sst s25  }
0xa6: {  	s4 =	sshll.u32 s26, $0x1;
	_ =	strace $0x80000049;
	[dreg:$0x1] =	wrdreg $0xFFFFFFFF  }
0xa7: {  	s28 =	simm.s32 $_size_execute0_lowered;
	s2 =	sadd.s32 s2, s4;
	[dreg:$0x0] =	wrdreg $0x0  }
0xa8: {  	s4 =	sshll.u32 s28, $0x1;
	[dreg:$0x2] =	wrdreg s2  }
0xa9: {  	[dreg:$0x3] =	wrdreg s4  }
0xaa: {  	[dreg:$0x4] =	wrdreg $0xC0  }
0xab: {  	_ =	task [dreg:s6], $0x5FFFF  }
0xac: {  	[dreg:$0x1] =	wrdreg $0xFFFFFFFF  }
0xad: {  	[dreg:$0x0] =	wrdreg $0x60  }
0xae: {  	[dreg:$0x2] =	wrdreg s24  }
0xaf: {  	[dreg:$0x3] =	wrdreg $0x0  }
0xb0: {  	[dreg:$0x4] =	wrdreg $0x9  }
0xb1: {  	_ =	task.clear_ibuf [dreg:s6], $0x5FFFF;
	_ =	strace $0x90000049  }
0xb2: {  	s29 =	simm.s32 $0x9;
	_ =	strace $0x8000004B  }
0xb3: {  	_ =	swait.ge [sflag:s29], $0x1  }
0xb4: {  	[sflag:s29] =	ssyncadd.s32 $0xFFFFFFFF  }
0xb5: {  	_ =	strace $0x9000004B  }
0xb6: {  	_ =	sfence  }
0xb7: {  	s30 =	sld [smem:$0x0];
	_ =	sdelay $0x2  }
0xb8: {  	s31 =	sshll.u32 s1, $0xD;
	s1 =	sshrl.u32 s1, $0x2  }
0xb9: {  	s3 =	sand.u32 $0x4000, s31;
	s1 =	sadd.s32 s1, s30  }
0xba: {  	s0 =	sor.u32 s3, s0;
	s1 =	sshll.u32 s1, $0x11  }
0xbb: {  	s0 =	sor.u32 s1, s0  }
0xbc: {  	s0 =	sadd.s32 $0x8F2B, s0  }
0xbd: {  	[sflag:s0] =	ssyncadd.remote.s32 $0x1  }
0xbe: {  	_ =	sfence.sel $0xFFFF  }
0xbf: {  	[dreg:$0x0] =	wrdreg $0xFFFFFFFF;
	(pc) =	sbr.abs _section_cstart, $3  }
0xc0: {  	[dreg:$0x1] =	wrdreg $0xFFFFFFFF  }
0xc1: {  	_ =	task.clear_ibuf [dreg:s6], $0x2FFFF;
	_ =	strace $0x9FFFFFFF  }
0xc2: {  	(tm) =	ssettm $0x7FFFFFFF  }
0xc3: {  	_ =	shalt  }
tec
execute0_lowered:
.L_overlay_start_1:
0x0: {  	(tag) =	ssettag $0x1  }
0x1: {  	s0 =	rddreg [dreg:$0x0]  }
0x2: {  	s1 =	rddreg [dreg:$0x1]  }
0x3: {  	s2 =	srdreg.scid;
	s4 =	simm.s32 $0x0;
	s22 =	stileid.u32  }
0x4: {  	s13 =	simm.s32 $0x7;
	s14 =	simm.s32 $0x40;
	s15 =	simm.s32 $0x19000  }
0x5: {  	s17 =	simm.s32 $0x1B000;
	s29 =	simm.s32 $0x1D000;
	s30 =	simm.s32 $0x2  }
0x6: {  	s31 =	simm.s32 $0x6;
	s2 =	sand.u32 $0x1, s2;
	s24 =	smul.u32 $0xA00, s22  }
0x7: {  	[smem:$0x7FF] =	sst s4;
	s16 =	smul.u32 $0x2800, s22;
	s4 =	sadd.s32 $0x67600, s0  }
0x8: {  	p0 =	sne.s32 s22, $0xF;
	s25 =	smul.u32 $0x50000, s22;
	p2 =	seq.s32 s22, $0xF  }
0x9: {  	s21 =	sadd.s32 $0x138800, s1;
	s9 =	sadd.s32 $0xB5900, s0;
	s3 =	smul.u32 $0xA000, s2  }
0xa: {  	_ =	strace $0x8000004A;
	s5 =	smul.u32 $0x28000, s2;
	s6 =	ssub.s32 $0x2, s2  }
0xb: {  	p1 =	seq.s32 s2, $0x0;
	s7 =	sshrl.u32 s6, $0x1;
	s8 =	sadd.s32 s16, s0  }
0xc: {  	p0 =	por !p1, !p0;
	p1 =	por !p1, !p2;
	s26 =	sshrl.u32 s25, $0x2  }
0xd: {  	s10 =	sadd.s32 s4, s16;
	s25 =	simm.s32 $0x1;
	s3 =	sadd.s32 s24, s3  }
0xe: {  	s11 =	sadd.s32 s5, s0;
	s12 =	ssub.s32 s6, s7;
	p0 =	por !p0, !p0  }
0xf: {  	p2 =	por !p1, !p1;
	s6 =	sadd.s32 s26, s1;
	s7 =	sadd.s32 $0x8E800, s8  }
0x10: {  	s8 =	sadd.s32 $0x8CE00, s0;
	s26 =	simm.s32 $0x5;
	s3 =	sadd.s32 s3, s0  }
0x11: {  	p1 =	por p2, p0;
	s28 =	sadd.s32 $0xB6800, s11;
	s11 =	smax.u32 s12, $0x1  }
0x12: {  	s12 =	simm.s32 $0x14000;
	s23 =	sshrl.u32 @p0 s6, $0x3;
	s0 =	simm.s32 $0x4  }
0x13: {  	s3 =	sadd.s32 $0x3600, s3;
	p1 =	seq.s32 @!p1 s2, $0x0;
	s24 =	sadd.s32 s16, s28  }
.Ltmp0:
0x14: {  	[dreg:$0x3] =	wrdreg s3;
	p1 =	por @!p0 p1, p2;
	(pc) =	sbr.rel .LBB2_1-.Ltmp0, $4  }
0x15: {  	s3 =	sadd.s32 $0x12C000, s1;
	p2 =	por !p2, p0;
	p1 =	por p1, p0  }
0x16: {  	s16 =	simm.s32 $0x0;
	s20 =	sshrl.u32 @!p2 s3, $0x3;
	s2 =	sshll.u32 @!p1 s22, $0x6  }
0x17: {  	s21 =	sshrl.u32 @!p2 s21, $0x3;
	s18 =	sor.u32 @!p1 $0x1C07, s2;
	s2 =	sshll.u32 @p0 s22, $0x6  }
0x18: {  	s19 =	sshrl.u32 @!p1 s6, $0x3;
	s22 =	sor.u32 @p0 $0x1C07, s2;
	s2 =	simm.s32 $0x3  }
.LBB2_4:
0x19: {  	_ =	swait.ge [sflag:s25], $0x2000  }
0x1a: {  	[sflag:s25] =	ssyncset.done $0x0  }
0x1b: {  	s3 =	simm.s32 $0x18FC0;
	[sflag:s25] =	ssyncadd.s32 $0xFFFFE000  }
0x1c: {  	[spmem:s1] =	stream.indirect.scatter.add.f32 [tilespmem:s15], [sflag:$0x4], $0x80, s3, s14, $0xb8;
	[tilespmem:$0x1F000] =	vst v63  }
0x1d: {  	_ =	swait.ge [sflag:s31], $0x2000  }
0x1e: {  	[sflag:s31] =	ssyncset.done $0x0  }
0x1f: {  	[sflag:s31] =	ssyncadd.s32 $0xFFFFE000  }
0x20: {  	_ =	swait.ge [sflag:s26], $0x2000  }
0x21: {  	[sflag:s26] =	ssyncset.done $0x0  }
0x22: {  	[sflag:s26] =	ssyncadd.s32 $0xFFFFE000  }
0x23: {  	s28 =	stileid.u32;
	_ =	swait.ge [sflag:s0], $0x2000  }
0x24: {  	s5 =	sshrl.u32 s6, $0x3;
	s16 =	sadd.s32 $0x1, s16;
	[sflag:s0] =	ssyncset.done $0x0  }
0x25: {  	p3 =	sne.s32 s16, s11;
	s3 =	sshll.u32 s28, $0x6;
	[sflag:s0] =	ssyncadd.s32 $0xFFFFE000  }
.Ltmp1:
0x26: {  	s3 =	sor.u32 $0x1C07, s3;
	[bflag:$0x0] =	sbarrier.arrive $0xFFFF;
	(pc) =	sbr.rel @!p3 .LBB2_5-.Ltmp1, $4  }
0x27: {  	[hbm:s24], [sflag:s3] =	dma.local [spmem:s5], $0x2800  }
0x28: {  	_ =	swait.ge [sflag:s13], $0x2800  }
0x29: {  	[sflag:s13] =	ssyncset.done $0x0  }
0x2a: {  	[sflag:s13] =	ssyncadd.s32 $0xFFFFD800  }
.LBB2_1:
0x2b: {  	s3 =	simm.s32 $0x0;
	s5 =	rddreg [dreg:$0x3]  }
0x2c: {  	[tilespmem:s12], [sflag:$0x7] =	stream.linear.gather [hbm4b:s5+s3], $0x5000, $0x38;
	[tilespmem:$0x1F000] =	vst v63  }
0x2d: {  	_ =	swait.ge [sflag:s13], $0x5000  }
0x2e: {  	[sflag:s13] =	ssyncset.done $0x0  }
0x2f: {  	[sflag:s13] =	ssyncadd.s32 $0xFFFFB000  }
0x30: {  	[tilespmem:s15], [sflag:$0x1] =	stream.indirect.gather [hbm4b:s4+s14], $0x80, s12, s14, $0xb8;
	[tilespmem:$0x1F000] =	vst v63  }
0x31: {  	s5 =	simm.s32 $0x14080;
	s3 =	simm.s32 @!p1 $0x7  }
0x32: {  	[tilespmem:s17], [sflag:$0x2] =	stream.indirect.gather [hbm4b:s4+s14], $0x80, s5, s14, $0xb8;
	[tilespmem:$0x1F000] =	vst v63  }
0x33: {  	[spmem:s19], [sflag:s18] =	dma.local @!p1 [hbm:s7], $0x2800  }
0x34: {  	_ =	swait.ge @!p1 [sflag:s3], $0x2800  }
0x35: {  	[sflag:s3] =	ssyncset.done @!p1 $0x0  }
0x36: {  	s28 =	simm.s32 @!p2 $0x7;
	[sflag:s3] =	ssyncadd.s32 @!p1 $0xFFFFD800;
	s3 =	simm.s32 @!p2 $0x1FC7  }
0x37: {  	[spmem:s20], [sflag:s3] =	dma.local @!p2 [hbm:s8], $0x1900  }
0x38: {  	_ =	swait.ge @!p2 [sflag:s28], $0x1900  }
0x39: {  	[sflag:s28] =	ssyncset.done @!p2 $0x0  }
0x3a: {  	[sflag:s28] =	ssyncadd.s32 @!p2 $0xFFFFE700  }
0x3b: {  	[spmem:s21], [sflag:s3] =	dma.local @!p2 [hbm:s9], $0xF00  }
0x3c: {  	_ =	swait.ge @!p2 [sflag:s28], $0xF00  }
0x3d: {  	[sflag:s28] =	ssyncset.done @!p2 $0x0  }
0x3e: {  	s3 =	simm.s32 @p0 $0x7;
	[sflag:s28] =	ssyncadd.s32 @!p2 $0xFFFFF100  }
0x3f: {  	[spmem:s23], [sflag:s22] =	dma.local @p0 [hbm:s10], $0x2800  }
0x40: {  	_ =	swait.ge @p0 [sflag:s3], $0x2800  }
0x41: {  	[sflag:s3] =	ssyncset.done @p0 $0x0  }
0x42: {  	[sflag:s3] =	ssyncadd.s32 @p0 $0xFFFFD800  }
0x43: {  	[bflag:$0x0] =	sbarrier.arrive $0xFFFF  }
0x44: {  	_ =	swait.ge [sflag:s25], $0x2000  }
0x45: {  	[sflag:s25] =	ssyncset.done $0x0  }
0x46: {  	s5 =	simm.s32 $0x14040;
	[sflag:s25] =	ssyncadd.s32 $0xFFFFE000  }
0x47: {  	[spmem:s1] =	stream.indirect.scatter.add.f32 [tilespmem:s15], [sflag:$0x4], $0x80, s5, s14, $0xb8;
	[tilespmem:$0x1F000] =	vst v63  }
0x48: {  	s5 =	simm.s32 $0x14100  }
0x49: {  	[tilespmem:s29], [sflag:$0x3] =	stream.indirect.gather [hbm4b:s4+s14], $0x80, s5, s14, $0xb8;
	[tilespmem:$0x1F000] =	vst v63  }
0x4a: {  	_ =	swait.ge [sflag:s30], $0x2000  }
0x4b: {  	[sflag:s30] =	ssyncset.done $0x0  }
0x4c: {  	s5 =	simm.s32 $0x140C0;
	[sflag:s30] =	ssyncadd.s32 $0xFFFFE000  }
0x4d: {  	[spmem:s1] =	stream.indirect.scatter.add.f32 [tilespmem:s17], [sflag:$0x5], $0x80, s5, s14, $0xb8;
	[tilespmem:$0x1F000] =	vst v63  }
0x4e: {  	_ =	swait.ge [sflag:s0], $0x2000  }
0x4f: {  	[sflag:s0] =	ssyncset.done $0x0  }
0x50: {  	s5 =	simm.s32 $0x14180;
	[sflag:s0] =	ssyncadd.s32 $0xFFFFE000  }
0x51: {  	[tilespmem:s15], [sflag:$0x1] =	stream.indirect.gather [hbm4b:s4+s14], $0x80, s5, s14, $0xb8;
	[tilespmem:$0x1F000] =	vst v63  }
0x52: {  	_ =	swait.ge [sflag:s2], $0x2000  }
0x53: {  	[sflag:s2] =	ssyncset.done $0x0  }
0x54: {  	s5 =	simm.s32 $0x14140;
	[sflag:s2] =	ssyncadd.s32 $0xFFFFE000  }
0x55: {  	[spmem:s1] =	stream.indirect.scatter.add.f32 [tilespmem:s29], [sflag:$0x6], $0x80, s5, s14, $0xb8;
	[tilespmem:$0x1F000] =	vst v63  }
0x56: {  	_ =	swait.ge [sflag:s26], $0x2000  }
0x57: {  	[sflag:s26] =	ssyncset.done $0x0  }
0x58: {  	s28 =	simm.s32 $0x0;
	s5 =	simm.s32 $0x14200;
	[sflag:s26] =	ssyncadd.s32 $0xFFFFE000  }
0x59: {  	[tilespmem:s17], [sflag:$0x2] =	stream.indirect.gather [hbm4b:s4+s14], $0x80, s5, s14, $0xb8;
	[tilespmem:$0x1F000] =	vst v63  }
.LBB2_2:
0x5a: {  	_ =	swait.ge [sflag:s25], $0x2000  }
0x5b: {  	s3 =	sshra.s32 s28, $0x2;
	[sflag:s25] =	ssyncset.done $0x0  }
0x5c: {  	s5 =	sadd.s32 $0x141C0, s3;
	[sflag:s25] =	ssyncadd.s32 $0xFFFFE000  }
0x5d: {  	[spmem:s1] =	stream.indirect.scatter.add.f32 [tilespmem:s15], [sflag:$0x4], $0x80, s5, s14, $0xb8;
	[tilespmem:$0x1F000] =	vst v63  }
0x5e: {  	_ =	swait.ge [sflag:s31], $0x2000  }
0x5f: {  	[sflag:s31] =	ssyncset.done $0x0  }
0x60: {  	s5 =	sadd.s32 $0x14280, s3;
	[sflag:s31] =	ssyncadd.s32 $0xFFFFE000  }
0x61: {  	[tilespmem:s29], [sflag:$0x3] =	stream.indirect.gather [hbm4b:s4+s14], $0x80, s5, s14, $0xb8;
	[tilespmem:$0x1F000] =	vst v63  }
0x62: {  	_ =	swait.ge [sflag:s30], $0x2000  }
0x63: {  	[sflag:s30] =	ssyncset.done $0x0  }
0x64: {  	s5 =	sadd.s32 $0x14240, s3;
	[sflag:s30] =	ssyncadd.s32 $0xFFFFE000  }
0x65: {  	[spmem:s1] =	stream.indirect.scatter.add.f32 [tilespmem:s17], [sflag:$0x5], $0x80, s5, s14, $0xb8;
	[tilespmem:$0x1F000] =	vst v63  }
0x66: {  	_ =	swait.ge [sflag:s0], $0x2000  }
0x67: {  	[sflag:s0] =	ssyncset.done $0x0  }
0x68: {  	p3 =	seq.s32 s28, $0x13200;
	s5 =	sadd.s32 $0x14300, s3;
	[sflag:s0] =	ssyncadd.s32 $0xFFFFE000  }
0x69: {  	[tilespmem:s15], [sflag:$0x1] =	stream.indirect.gather [hbm4b:s4+s14], $0x80, s5, s14, $0xb8;
	[tilespmem:$0x1F000] =	vst v63  }
.Ltmp2:
0x6a: {  	_ = 	snop;
	(pc) =	sbr.rel @p3 .LBB2_4-.Ltmp2, $4  }
0x6b: {  	_ =	swait.ge [sflag:s2], $0x2000  }
0x6c: {  	[sflag:s2] =	ssyncset.done $0x0  }
0x6d: {  	s5 =	sadd.s32 $0x142C0, s3;
	[sflag:s2] =	ssyncadd.s32 $0xFFFFE000  }
0x6e: {  	[spmem:s1] =	stream.indirect.scatter.add.f32 [tilespmem:s29], [sflag:$0x6], $0x80, s5, s14, $0xb8;
	[tilespmem:$0x1F000] =	vst v63  }
.Ltmp3:
0x6f: {  	(pc) =	sbr.rel .LBB2_2-.Ltmp3, $4  }
0x70: {  	_ =	swait.ge [sflag:s26], $0x2000  }
0x71: {  	[sflag:s26] =	ssyncset.done $0x0  }
0x72: {  	s3 =	sadd.s32 $0x14380, s3;
	s28 =	sadd.s32 $0x600, s28;
	[sflag:s26] =	ssyncadd.s32 $0xFFFFE000  }
0x73: {  	[tilespmem:s17], [sflag:$0x2] =	stream.indirect.gather [hbm4b:s4+s14], $0x80, s3, s14, $0xb8;
	[tilespmem:$0x1F000] =	vst v63  }
.LBB2_5:
0x74: {  	_ =	sfence.sel $0x180000  }
0x75: {  	[bflag:$0x0] =	sbarrier.arrive $0xFFFF  }
0x76: {  	_ =	strace $0x9000004A  }
0x77: {  	s0 =	stileid.u32;
	[bflag:$0x2] =	sbarrier.arrive $0xFFFF  }
0x78: {  	p0 =	sne.s32 s0, $0x0;
	s0 =	rddreg [dreg:$0x2]  }
0x79: {  	s0 =	sadd.s32 @!p0 $0x100000, s0  }
0x7a: {  	[sflag:s0] =	ssyncadd.tile.s32 @!p0 $0x1;
	_ =	shalt  }
.Lfunc_end2:
_tile_overlayer_lowered:
.L_overlay_start_2:
0x7b: {  	(tag) =	ssettag $0x2  }
0x7c: {  	s0 =	rddreg [dreg:$0x0];
	s2 =	stileid.u32  }
0x7d: {  	s1 =	rddreg [dreg:$0x1];
	p0 =	sne.s32 s2, $0x0  }
0x7e: {  	s3 =	rddreg [dreg:$0x2];
	[bflag:$0x3] =	sbarrier.arrive $0xFFFF;
	s2 =	simm.s32 @!p0 $0x1C07  }
0x7f: {  	[timem:s3], [sflag:s2] =	dma.local @!p0 [hbm:s0], s1  }
0x80: {  	s0 =	simm.s32 @!p0 $0x7  }
0x81: {  	_ =	swait.ge @!p0 [sflag:s0], s1  }
0x82: {  	s1 =	ssub.s32 @!p0 $0x0, s1;
	[sflag:s0] =	ssyncset.done @!p0 $0x0  }
0x83: {  	[sflag:s0] =	ssyncadd.s32 @!p0 s1  }
0x84: {  	[bflag:$0x3] =	sbarrier.arrive $0xFFFF  }
0x85: {  	_ =	shalt  }

// kernel: kernel.15.cloned.1.call-start
scs
__scs_entry_jumppad:
0x0: {  	(pc) =	sbr.rel $0x88, $3  }
0x1: {  	(tag) =	ssettag $0x0;
	lr =	simm.s32 $0x1  }
0x2: {  	[smem:$0x3F99] =	sst lr;
	_ =	strace $0xD0000000  }
0x3: {  	_ = 	snop  }
0x4: {  	_ = 	snop  }
0x5: {  	_ = 	snop  }
0x6: {  	_ = 	snop  }
0x7: {  	_ = 	snop  }
__scs_overlays_trampoline_lowered:
0x8: {  	[smem:$0x3FA8] =	sst s0  }
0x9: {  	[smem:$0x3FA9] =	sst s1  }
0xa: {  	[smem:$0x3FAA] =	sst s2  }
0xb: {  	[smem:$0x3FAB] =	sst s3  }
0xc: {  	[smem:$0x3FAC] =	sst s4  }
0xd: {  	[smem:$0x3FAD] =	sst s5  }
0xe: {  	[smem:$0x3FAE] =	sst s6  }
0xf: {  	[smem:$0x3FAF] =	sst s7  }
0x10: {  	[smem:$0x3FB0] =	sst s8  }
0x11: {  	[smem:$0x3FB1] =	sst s9;
	s0 =	simm.s32 @!p0 $0x0  }
0x12: {  	s1 =	sld [smem:$0x3F97];
	s0 =	simm.s32 @p0 $0x1  }
0x13: {  	[smem:$0x3FB2] =	sst s0;
	s0 =	simm.s32 @!p1 $0x0  }
0x14: {  	s2 =	sld [smem:$0x3F96];
	s0 =	simm.s32 @p1 $0x1  }
0x15: {  	[smem:$0x3FB3] =	sst s0;
	s0 =	simm.s32 @!p2 $0x0  }
0x16: {  	s3 =	sld [smem:$0x3FDB];
	s0 =	simm.s32 @p2 $0x1  }
0x17: {  	s4 =	simm.s32 $0x1BF5;
	[smem:$0x3FB5] =	sst s0  }
0x18: {  	s0 =	sld [smem:$0x3F98];
	_ =	swait.ge [sflag:s4], $0x0  }
0x19: {  	s7 =	sld [smem:$0x3F99]  }
0x1a: {  	s8 =	sadd.s32 $0xFFFFE003, lr  }
0x1b: {  	s9 =	sadd.s32 $0xFFFFFEF7, lr;
	s5 =	simm.s32 $0xFFFFFFFF;
	p2 =	slt.u32 s8, $0xFFFFF086  }
0x1c: {  	p1 =	slt.u32 s9, $0xF7A;
	s5 =	simm.s32 @!p2 $0x0  }
0x1d: {  	s5 =	simm.s32 @p1 $0x1;
	p0 =	seq.s32 s7, s2  }
0x1e: {  	s7 =	smul.u32 @!p0 $0xF7A, s2;
	p2 =	seq.s32 @!p0 s5, $0x0  }
0x1f: {  	s9 =	smul.u32 $0xF7A, s1;
	s8 =	simm.s32 @!p0 $0x1BF5;
	p2 =	por !p2, p0  }
0x20: {  	[sflag:s8] =	ssyncset.s32 @!p0 $0xFFFFF086;
	s6 =	sadd.s32 @!p0 s3, s7;
	s7 =	simm.s32 @!p0 $0x108  }
0x21: {  	s3 =	sadd.s32 s3, s9;
	s6 =	sadd.s32 @!p0 $0x88, s6;
	s7 =	simm.s32 @p2 $0x1082  }
0x22: {  	[simem:s7], [sflag:s8] =	dma.local @!p0 [hbm:s6], $0xF7A  }
0x23: {  	s9 =	sor.u32 $0xD0000000, s2;
	s6 =	simm.s32 $0x108;
	_ =	swait.ge @!p0 [sflag:s8], $0x0  }
0x24: {  	s3 =	sadd.s32 $0x88, s3;
	s6 =	simm.s32 @!p1 $0x1082;
	[sflag:s4] =	ssyncset.s32 $0xFFFFF086  }
0x25: {  	[simem:s6], [sflag:s4] =	dma.local [hbm:s3], $0xF7A  }
0x26: {  	[smem:$0x3F99] =	sst s1;
	(tag) =	ssettag s2;
	_ =	strace s9  }
0x27: {  	s1 =	sld [smem:$0x3FA9]  }
0x28: {  	s2 =	sld [smem:$0x3FAA]  }
0x29: {  	s4 =	sld [smem:$0x3FAC]  }
0x2a: {  	p0 =	seq.s32 s5, $0x0;
	s5 =	sld [smem:$0x3FAD]  }
0x2b: {  	s6 =	sld [smem:$0x3FAE]  }
0x2c: {  	s7 =	sld [smem:$0x3FAF]  }
0x2d: {  	s3 =	simm.s32 $0x108;
	s8 =	sld [smem:$0x3FB0]  }
0x2e: {  	s3 =	simm.s32 @!p0 $0x1082;
	s9 =	sld [smem:$0x3FB1]  }
0x2f: {  	lr =	sadd.s32 s0, s3;
	s0 =	sld [smem:$0x3FA8]  }
0x30: {  	s3 =	sld [smem:$0x3FAB]  }
0x31: {  	[smem:$0x3FB4] =	sst s10  }
0x32: {  	s10 =	sld [smem:$0x3FB2];
	_ =	sdelay $0x3  }
0x33: {  	p0 =	seq.s32 s10, $0x1;
	s10 =	sld [smem:$0x3FB4];
	_ =	sdelay $0x3  }
0x34: {  	[smem:$0x3FB4] =	sst s10  }
0x35: {  	s10 =	sld [smem:$0x3FB3];
	_ =	sdelay $0x3  }
0x36: {  	p1 =	seq.s32 s10, $0x1;
	s10 =	sld [smem:$0x3FB4];
	_ =	sdelay $0x3  }
0x37: {  	[smem:$0x3FB4] =	sst s10  }
0x38: {  	s10 =	sld [smem:$0x3FB5]  }
0x39: {  	_ = 	snop;
	(pc) =	sbr.ind lr, $3  }
0x3a: {  	_ = 	snop  }
0x3b: {  	_ = 	snop  }
0x3c: {  	p2 =	seq.s32 s10, $0x1;
	s10 =	sld [smem:$0x3FB4]  }
0x3d: {  	_ =	shalt  }
0x3e: {  	_ =	shalt  }
0x3f: {  	_ =	shalt  }
0x40: {  	_ =	shalt  }
0x41: {  	_ =	shalt  }
0x42: {  	_ =	shalt  }
0x43: {  	_ =	shalt  }
0x44: {  	_ =	shalt  }
0x45: {  	_ =	shalt  }
0x46: {  	_ =	shalt  }
0x47: {  	_ =	shalt  }
0x48: {  	_ =	shalt  }
0x49: {  	_ =	shalt  }
0x4a: {  	_ =	shalt  }
0x4b: {  	_ =	shalt  }
0x4c: {  	_ =	shalt  }
0x4d: {  	_ =	shalt  }
0x4e: {  	_ =	shalt  }
0x4f: {  	_ =	shalt  }
0x50: {  	_ =	shalt  }
0x51: {  	_ =	shalt  }
0x52: {  	_ =	shalt  }
0x53: {  	_ =	shalt  }
0x54: {  	_ =	shalt  }
0x55: {  	_ =	shalt  }
0x56: {  	_ =	shalt  }
0x57: {  	_ =	shalt  }
0x58: {  	_ =	shalt  }
0x59: {  	_ =	shalt  }
0x5a: {  	_ =	shalt  }
0x5b: {  	_ =	shalt  }
0x5c: {  	_ =	shalt  }
0x5d: {  	_ =	shalt  }
0x5e: {  	_ =	shalt  }
0x5f: {  	_ =	shalt  }
0x60: {  	_ =	shalt  }
0x61: {  	_ =	shalt  }
0x62: {  	_ =	shalt  }
0x63: {  	_ =	shalt  }
0x64: {  	_ =	shalt  }
0x65: {  	_ =	shalt  }
0x66: {  	_ =	shalt  }
0x67: {  	_ =	shalt  }
0x68: {  	_ =	shalt  }
0x69: {  	_ =	shalt  }
0x6a: {  	_ =	shalt  }
0x6b: {  	_ =	shalt  }
0x6c: {  	_ =	shalt  }
0x6d: {  	_ =	shalt  }
0x6e: {  	_ =	shalt  }
0x6f: {  	_ =	shalt  }
0x70: {  	_ =	shalt  }
0x71: {  	_ =	shalt  }
0x72: {  	_ =	shalt  }
0x73: {  	_ =	shalt  }
0x74: {  	_ =	shalt  }
0x75: {  	_ =	shalt  }
0x76: {  	_ =	shalt  }
0x77: {  	_ =	shalt  }
0x78: {  	_ =	shalt  }
0x79: {  	_ =	shalt  }
0x7a: {  	_ =	shalt  }
0x7b: {  	_ =	shalt  }
0x7c: {  	_ =	shalt  }
0x7d: {  	_ =	shalt  }
0x7e: {  	_ =	shalt  }
0x7f: {  	_ =	shalt  }
0x80: {  	_ =	shalt  }
0x81: {  	_ =	shalt  }
0x82: {  	_ =	shalt  }
0x83: {  	_ =	shalt  }
0x84: {  	_ =	shalt  }
0x85: {  	_ =	shalt  }
0x86: {  	_ =	shalt  }
0x87: {  	_ =	shalt  }
.Lfunc_end0:
.L_simem_size_0:
called_computation.2_lowered:
.L_overlay_start_0:
0x88: {  	s2 =	sld [smem:$0x3FD9]  }
0x89: {  	s3 =	sld [smem:$0x3FFE];
	_ =	sdelay $0x1  }
0x8a: {  	s1 =	srdreg.scid  }
0x8b: {  	s0 =	sand.u32 $0x1, s1  }
0x8c: {  	s16 =	sshll.u32 s0, $0xA;
	s2 =	sadd.s32 s3, s2  }
0x8d: {  	s2 =	sadd.s32 s2, s16  }
0x8e: {  	[smem:$0x3FC0] =	sst s2  }
0x8f: {  	_ = 	snop  }
0x90: {  	(tm) =	ssettm $0x1  }
0x91: {  	s17 =	sld [smem:$0x3FFB];
	_ =	sdelay $0x3  }
0x92: {  	_ =	strace s17  }
0x93: {  	s2 =	sld [smem:$0x3FFC];
	_ =	sdelay $0x3  }
0x94: {  	_ =	strace s2  }
0x95: {  	s2 =	sld [smem:$0x3FFD];
	_ =	sdelay $0x3  }
0x96: {  	_ =	strace s2  }
0x97: {  	_ =	strace $0x8FFFFFFF  }
0x98: {  	s18 =	sld [smem:$0x3FDB];
	_ =	sdelay $0x1  }
0x99: {  	s19 =	simm.s32 $_scs_section_size  }
0x9a: {  	s4 =	simm.s32 $_size__tile_overlayer_lowered;
	s5 =	simm.s32 $_tile_overlayer_lowered  }
0x9b: {  	s22 =	simm.s32 $0x1BFF;
	s21 =	sshll.u32 s5, $0x1;
	s2 =	sadd.s32 s19, s18  }
0x9c: {  	s6 =	simm.s32 $0x0;
	s20 =	sshll.u32 s4, $0x1;
	s4 =	sadd.s32 s21, s2  }
0x9d: {  	[timem:s6], [sflag:s22] =	dma.local [hbm:s4], s20  }
0x9e: {  	_ =	swait.ge [sflag:s22], s20  }
0x9f: {  	s3 =	ssub.s32 $0x0, s20;
	[sflag:s22] =	ssyncset.done $0x0  }
0xa0: {  	[sflag:s22] =	ssyncadd.s32 s3;
	_ =	sdelay $0x1  }
0xa1: {  	s23 =	simm.s32 $0x1B8B  }
0xa2: {  	_ =	swait.ge [sflag:s23], $0x1  }
0xa3: {  	[sflag:s23] =	ssyncset.done $0x0  }
0xa4: {  	s25 =	simm.s32 $0x1B8E;
	s24 =	sld [smem:$0x3FFE];
	[sflag:s23] =	ssyncadd.s32 $0xFFFFFFFF  }
0xa5: {  	s26 =	simm.s32 $execute0_lowered;
	[smem:$0x3FD2] =	sst s25  }
0xa6: {  	s4 =	sshll.u32 s26, $0x1;
	_ =	strace $0x8000004C;
	[dreg:$0x1] =	wrdreg $0xFFFFFFFF  }
0xa7: {  	s28 =	simm.s32 $_size_execute0_lowered;
	s2 =	sadd.s32 s2, s4;
	[dreg:$0x0] =	wrdreg $0x0  }
0xa8: {  	s4 =	sshll.u32 s28, $0x1;
	[dreg:$0x2] =	wrdreg s2  }
0xa9: {  	[dreg:$0x3] =	wrdreg s4  }
0xaa: {  	[dreg:$0x4] =	wrdreg $0xC0  }
0xab: {  	_ =	task [dreg:s6], $0x5FFFF  }
0xac: {  	[dreg:$0x1] =	wrdreg $0xFFFFFFFF  }
0xad: {  	[dreg:$0x0] =	wrdreg $0x60  }
0xae: {  	[dreg:$0x2] =	wrdreg s24  }
0xaf: {  	[dreg:$0x3] =	wrdreg $0x0  }
0xb0: {  	[dreg:$0x4] =	wrdreg $0x9  }
0xb1: {  	_ =	task.clear_ibuf [dreg:s6], $0x5FFFF;
	_ =	strace $0x9000004C  }
0xb2: {  	s29 =	simm.s32 $0x9;
	_ =	strace $0x8000004E  }
0xb3: {  	_ =	swait.ge [sflag:s29], $0x1  }
0xb4: {  	[sflag:s29] =	ssyncadd.s32 $0xFFFFFFFF  }
0xb5: {  	_ =	strace $0x9000004E  }
0xb6: {  	_ =	sfence  }
0xb7: {  	s30 =	sld [smem:$0x0];
	_ =	sdelay $0x2  }
0xb8: {  	s31 =	sshll.u32 s1, $0xD;
	s1 =	sshrl.u32 s1, $0x2  }
0xb9: {  	s3 =	sand.u32 $0x4000, s31;
	s1 =	sadd.s32 s1, s30  }
0xba: {  	s0 =	sor.u32 s3, s0;
	s1 =	sshll.u32 s1, $0x11  }
0xbb: {  	s0 =	sor.u32 s1, s0  }
0xbc: {  	s0 =	sadd.s32 $0x8F2B, s0  }
0xbd: {  	[sflag:s0] =	ssyncadd.remote.s32 $0x1  }
0xbe: {  	_ =	sfence.sel $0xFFFF  }
0xbf: {  	[dreg:$0x0] =	wrdreg $0xFFFFFFFF;
	(pc) =	sbr.abs _section_cstart, $3  }
0xc0: {  	[dreg:$0x1] =	wrdreg $0xFFFFFFFF  }
0xc1: {  	_ =	task.clear_ibuf [dreg:s6], $0x2FFFF;
	_ =	strace $0x9FFFFFFF  }
0xc2: {  	(tm) =	ssettm $0x7FFFFFFF  }
0xc3: {  	_ =	shalt  }
tec
execute0_lowered:
.L_overlay_start_1:
0x0: {  	(tag) =	ssettag $0x1  }
0x1: {  	s0 =	rddreg [dreg:$0x0]  }
0x2: {  	s1 =	rddreg [dreg:$0x1]  }
0x3: {  	s2 =	srdreg.scid;
	s4 =	simm.s32 $0x0;
	s22 =	stileid.u32  }
0x4: {  	s13 =	simm.s32 $0x7;
	s14 =	simm.s32 $0x40;
	s15 =	simm.s32 $0x19000  }
0x5: {  	s17 =	simm.s32 $0x1B000;
	s29 =	simm.s32 $0x1D000;
	s30 =	simm.s32 $0x2  }
0x6: {  	s31 =	simm.s32 $0x6;
	s2 =	sand.u32 $0x1, s2;
	s24 =	smul.u32 $0xA00, s22  }
0x7: {  	[smem:$0x7FF] =	sst s4;
	s16 =	smul.u32 $0x2800, s22;
	s4 =	sadd.s32 $0x67600, s0  }
0x8: {  	p0 =	sne.s32 s22, $0xF;
	s25 =	smul.u32 $0x50000, s22;
	p2 =	seq.s32 s22, $0xF  }
0x9: {  	s21 =	sadd.s32 $0x138800, s1;
	s9 =	sadd.s32 $0xB5900, s0;
	s3 =	smul.u32 $0xA000, s2  }
0xa: {  	_ =	strace $0x8000004D;
	s5 =	smul.u32 $0x28000, s2;
	s6 =	ssub.s32 $0x2, s2  }
0xb: {  	p1 =	seq.s32 s2, $0x0;
	s7 =	sshrl.u32 s6, $0x1;
	s8 =	sadd.s32 s16, s0  }
0xc: {  	p0 =	por !p1, !p0;
	p1 =	por !p1, !p2;
	s26 =	sshrl.u32 s25, $0x2  }
0xd: {  	s10 =	sadd.s32 s4, s16;
	s25 =	simm.s32 $0x1;
	s3 =	sadd.s32 s24, s3  }
0xe: {  	s11 =	sadd.s32 s5, s0;
	s12 =	ssub.s32 s6, s7;
	p0 =	por !p0, !p0  }
0xf: {  	p2 =	por !p1, !p1;
	s6 =	sadd.s32 s26, s1;
	s7 =	sadd.s32 $0x8E800, s8  }
0x10: {  	s8 =	sadd.s32 $0x8CE00, s0;
	s26 =	simm.s32 $0x5;
	s3 =	sadd.s32 s3, s0  }
0x11: {  	p1 =	por p2, p0;
	s28 =	sadd.s32 $0xB6800, s11;
	s11 =	smax.u32 s12, $0x1  }
0x12: {  	s12 =	simm.s32 $0x14000;
	s23 =	sshrl.u32 @p0 s6, $0x3;
	s0 =	simm.s32 $0x4  }
0x13: {  	s3 =	sadd.s32 $0x3600, s3;
	p1 =	seq.s32 @!p1 s2, $0x0;
	s24 =	sadd.s32 s16, s28  }
.Ltmp0:
0x14: {  	[dreg:$0x3] =	wrdreg s3;
	p1 =	por @!p0 p1, p2;
	(pc) =	sbr.rel .LBB2_1-.Ltmp0, $4  }
0x15: {  	s3 =	sadd.s32 $0x12C000, s1;
	p2 =	por !p2, p0;
	p1 =	por p1, p0  }
0x16: {  	s16 =	simm.s32 $0x0;
	s20 =	sshrl.u32 @!p2 s3, $0x3;
	s2 =	sshll.u32 @!p1 s22, $0x6  }
0x17: {  	s21 =	sshrl.u32 @!p2 s21, $0x3;
	s18 =	sor.u32 @!p1 $0x1C07, s2;
	s2 =	sshll.u32 @p0 s22, $0x6  }
0x18: {  	s19 =	sshrl.u32 @!p1 s6, $0x3;
	s22 =	sor.u32 @p0 $0x1C07, s2;
	s2 =	simm.s32 $0x3  }
.LBB2_4:
0x19: {  	_ =	swait.ge [sflag:s25], $0x2000  }
0x1a: {  	[sflag:s25] =	ssyncset.done $0x0  }
0x1b: {  	s3 =	simm.s32 $0x18FC0;
	[sflag:s25] =	ssyncadd.s32 $0xFFFFE000  }
0x1c: {  	[spmem:s1] =	stream.indirect.scatter.add.f32 [tilespmem:s15], [sflag:$0x4], $0x80, s3, s14, $0xb8;
	[tilespmem:$0x1F000] =	vst v63  }
0x1d: {  	_ =	swait.ge [sflag:s31], $0x2000  }
0x1e: {  	[sflag:s31] =	ssyncset.done $0x0  }
0x1f: {  	[sflag:s31] =	ssyncadd.s32 $0xFFFFE000  }
0x20: {  	_ =	swait.ge [sflag:s26], $0x2000  }
0x21: {  	[sflag:s26] =	ssyncset.done $0x0  }
0x22: {  	[sflag:s26] =	ssyncadd.s32 $0xFFFFE000  }
0x23: {  	s28 =	stileid.u32;
	_ =	swait.ge [sflag:s0], $0x2000  }
0x24: {  	s5 =	sshrl.u32 s6, $0x3;
	s16 =	sadd.s32 $0x1, s16;
	[sflag:s0] =	ssyncset.done $0x0  }
0x25: {  	p3 =	sne.s32 s16, s11;
	s3 =	sshll.u32 s28, $0x6;
	[sflag:s0] =	ssyncadd.s32 $0xFFFFE000  }
.Ltmp1:
0x26: {  	s3 =	sor.u32 $0x1C07, s3;
	[bflag:$0x0] =	sbarrier.arrive $0xFFFF;
	(pc) =	sbr.rel @!p3 .LBB2_5-.Ltmp1, $4  }
0x27: {  	[hbm:s24], [sflag:s3] =	dma.local [spmem:s5], $0x2800  }
0x28: {  	_ =	swait.ge [sflag:s13], $0x2800  }
0x29: {  	[sflag:s13] =	ssyncset.done $0x0  }
0x2a: {  	[sflag:s13] =	ssyncadd.s32 $0xFFFFD800  }
.LBB2_1:
0x2b: {  	s3 =	simm.s32 $0x0;
	s5 =	rddreg [dreg:$0x3]  }
0x2c: {  	[tilespmem:s12], [sflag:$0x7] =	stream.linear.gather [hbm4b:s5+s3], $0x5000, $0x38;
	[tilespmem:$0x1F000] =	vst v63  }
0x2d: {  	_ =	swait.ge [sflag:s13], $0x5000  }
0x2e: {  	[sflag:s13] =	ssyncset.done $0x0  }
0x2f: {  	[sflag:s13] =	ssyncadd.s32 $0xFFFFB000  }
0x30: {  	[tilespmem:s15], [sflag:$0x1] =	stream.indirect.gather [hbm4b:s4+s14], $0x80, s12, s14, $0xb8;
	[tilespmem:$0x1F000] =	vst v63  }
0x31: {  	s5 =	simm.s32 $0x14080;
	s3 =	simm.s32 @!p1 $0x7  }
0x32: {  	[tilespmem:s17], [sflag:$0x2] =	stream.indirect.gather [hbm4b:s4+s14], $0x80, s5, s14, $0xb8;
	[tilespmem:$0x1F000] =	vst v63  }
0x33: {  	[spmem:s19], [sflag:s18] =	dma.local @!p1 [hbm:s7], $0x2800  }
0x34: {  	_ =	swait.ge @!p1 [sflag:s3], $0x2800  }
0x35: {  	[sflag:s3] =	ssyncset.done @!p1 $0x0  }
0x36: {  	s28 =	simm.s32 @!p2 $0x7;
	[sflag:s3] =	ssyncadd.s32 @!p1 $0xFFFFD800;
	s3 =	simm.s32 @!p2 $0x1FC7  }
0x37: {  	[spmem:s20], [sflag:s3] =	dma.local @!p2 [hbm:s8], $0x1900  }
0x38: {  	_ =	swait.ge @!p2 [sflag:s28], $0x1900  }
0x39: {  	[sflag:s28] =	ssyncset.done @!p2 $0x0  }
0x3a: {  	[sflag:s28] =	ssyncadd.s32 @!p2 $0xFFFFE700  }
0x3b: {  	[spmem:s21], [sflag:s3] =	dma.local @!p2 [hbm:s9], $0xF00  }
0x3c: {  	_ =	swait.ge @!p2 [sflag:s28], $0xF00  }
0x3d: {  	[sflag:s28] =	ssyncset.done @!p2 $0x0  }
0x3e: {  	s3 =	simm.s32 @p0 $0x7;
	[sflag:s28] =	ssyncadd.s32 @!p2 $0xFFFFF100  }
0x3f: {  	[spmem:s23], [sflag:s22] =	dma.local @p0 [hbm:s10], $0x2800  }
0x40: {  	_ =	swait.ge @p0 [sflag:s3], $0x2800  }
0x41: {  	[sflag:s3] =	ssyncset.done @p0 $0x0  }
0x42: {  	[sflag:s3] =	ssyncadd.s32 @p0 $0xFFFFD800  }
0x43: {  	[bflag:$0x0] =	sbarrier.arrive $0xFFFF  }
0x44: {  	_ =	swait.ge [sflag:s25], $0x2000  }
0x45: {  	[sflag:s25] =	ssyncset.done $0x0  }
0x46: {  	s5 =	simm.s32 $0x14040;
	[sflag:s25] =	ssyncadd.s32 $0xFFFFE000  }
0x47: {  	[spmem:s1] =	stream.indirect.scatter.add.f32 [tilespmem:s15], [sflag:$0x4], $0x80, s5, s14, $0xb8;
	[tilespmem:$0x1F000] =	vst v63  }
0x48: {  	s5 =	simm.s32 $0x14100  }
0x49: {  	[tilespmem:s29], [sflag:$0x3] =	stream.indirect.gather [hbm4b:s4+s14], $0x80, s5, s14, $0xb8;
	[tilespmem:$0x1F000] =	vst v63  }
0x4a: {  	_ =	swait.ge [sflag:s30], $0x2000  }
0x4b: {  	[sflag:s30] =	ssyncset.done $0x0  }
0x4c: {  	s5 =	simm.s32 $0x140C0;
	[sflag:s30] =	ssyncadd.s32 $0xFFFFE000  }
0x4d: {  	[spmem:s1] =	stream.indirect.scatter.add.f32 [tilespmem:s17], [sflag:$0x5], $0x80, s5, s14, $0xb8;
	[tilespmem:$0x1F000] =	vst v63  }
0x4e: {  	_ =	swait.ge [sflag:s0], $0x2000  }
0x4f: {  	[sflag:s0] =	ssyncset.done $0x0  }
0x50: {  	s5 =	simm.s32 $0x14180;
	[sflag:s0] =	ssyncadd.s32 $0xFFFFE000  }
0x51: {  	[tilespmem:s15], [sflag:$0x1] =	stream.indirect.gather [hbm4b:s4+s14], $0x80, s5, s14, $0xb8;
	[tilespmem:$0x1F000] =	vst v63  }
0x52: {  	_ =	swait.ge [sflag:s2], $0x2000  }
0x53: {  	[sflag:s2] =	ssyncset.done $0x0  }
0x54: {  	s5 =	simm.s32 $0x14140;
	[sflag:s2] =	ssyncadd.s32 $0xFFFFE000  }
0x55: {  	[spmem:s1] =	stream.indirect.scatter.add.f32 [tilespmem:s29], [sflag:$0x6], $0x80, s5, s14, $0xb8;
	[tilespmem:$0x1F000] =	vst v63  }
0x56: {  	_ =	swait.ge [sflag:s26], $0x2000  }
0x57: {  	[sflag:s26] =	ssyncset.done $0x0  }
0x58: {  	s28 =	simm.s32 $0x0;
	s5 =	simm.s32 $0x14200;
	[sflag:s26] =	ssyncadd.s32 $0xFFFFE000  }
0x59: {  	[tilespmem:s17], [sflag:$0x2] =	stream.indirect.gather [hbm4b:s4+s14], $0x80, s5, s14, $0xb8;
	[tilespmem:$0x1F000] =	vst v63  }
.LBB2_2:
0x5a: {  	_ =	swait.ge [sflag:s25], $0x2000  }
0x5b: {  	s3 =	sshra.s32 s28, $0x2;
	[sflag:s25] =	ssyncset.done $0x0  }
0x5c: {  	s5 =	sadd.s32 $0x141C0, s3;
	[sflag:s25] =	ssyncadd.s32 $0xFFFFE000  }
0x5d: {  	[spmem:s1] =	stream.indirect.scatter.add.f32 [tilespmem:s15], [sflag:$0x4], $0x80, s5, s14, $0xb8;
	[tilespmem:$0x1F000] =	vst v63  }
0x5e: {  	_ =	swait.ge [sflag:s31], $0x2000  }
0x5f: {  	[sflag:s31] =	ssyncset.done $0x0  }
0x60: {  	s5 =	sadd.s32 $0x14280, s3;
	[sflag:s31] =	ssyncadd.s32 $0xFFFFE000  }
0x61: {  	[tilespmem:s29], [sflag:$0x3] =	stream.indirect.gather [hbm4b:s4+s14], $0x80, s5, s14, $0xb8;
	[tilespmem:$0x1F000] =	vst v63  }
0x62: {  	_ =	swait.ge [sflag:s30], $0x2000  }
0x63: {  	[sflag:s30] =	ssyncset.done $0x0  }
0x64: {  	s5 =	sadd.s32 $0x14240, s3;
	[sflag:s30] =	ssyncadd.s32 $0xFFFFE000  }
0x65: {  	[spmem:s1] =	stream.indirect.scatter.add.f32 [tilespmem:s17], [sflag:$0x5], $0x80, s5, s14, $0xb8;
	[tilespmem:$0x1F000] =	vst v63  }
0x66: {  	_ =	swait.ge [sflag:s0], $0x2000  }
0x67: {  	[sflag:s0] =	ssyncset.done $0x0  }
0x68: {  	p3 =	seq.s32 s28, $0x13200;
	s5 =	sadd.s32 $0x14300, s3;
	[sflag:s0] =	ssyncadd.s32 $0xFFFFE000  }
0x69: {  	[tilespmem:s15], [sflag:$0x1] =	stream.indirect.gather [hbm4b:s4+s14], $0x80, s5, s14, $0xb8;
	[tilespmem:$0x1F000] =	vst v63  }
.Ltmp2:
0x6a: {  	_ = 	snop;
	(pc) =	sbr.rel @p3 .LBB2_4-.Ltmp2, $4  }
0x6b: {  	_ =	swait.ge [sflag:s2], $0x2000  }
0x6c: {  	[sflag:s2] =	ssyncset.done $0x0  }
0x6d: {  	s5 =	sadd.s32 $0x142C0, s3;
	[sflag:s2] =	ssyncadd.s32 $0xFFFFE000  }
0x6e: {  	[spmem:s1] =	stream.indirect.scatter.add.f32 [tilespmem:s29], [sflag:$0x6], $0x80, s5, s14, $0xb8;
	[tilespmem:$0x1F000] =	vst v63  }
.Ltmp3:
0x6f: {  	(pc) =	sbr.rel .LBB2_2-.Ltmp3, $4  }
0x70: {  	_ =	swait.ge [sflag:s26], $0x2000  }
0x71: {  	[sflag:s26] =	ssyncset.done $0x0  }
0x72: {  	s3 =	sadd.s32 $0x14380, s3;
	s28 =	sadd.s32 $0x600, s28;
	[sflag:s26] =	ssyncadd.s32 $0xFFFFE000  }
0x73: {  	[tilespmem:s17], [sflag:$0x2] =	stream.indirect.gather [hbm4b:s4+s14], $0x80, s3, s14, $0xb8;
	[tilespmem:$0x1F000] =	vst v63  }
.LBB2_5:
0x74: {  	_ =	sfence.sel $0x180000  }
0x75: {  	[bflag:$0x0] =	sbarrier.arrive $0xFFFF  }
0x76: {  	_ =	strace $0x9000004D  }
0x77: {  	s0 =	stileid.u32;
	[bflag:$0x2] =	sbarrier.arrive $0xFFFF  }
0x78: {  	p0 =	sne.s32 s0, $0x0;
	s0 =	rddreg [dreg:$0x2]  }
0x79: {  	s0 =	sadd.s32 @!p0 $0x100000, s0  }
0x7a: {  	[sflag:s0] =	ssyncadd.tile.s32 @!p0 $0x1;
	_ =	shalt  }
.Lfunc_end2:
_tile_overlayer_lowered:
.L_overlay_start_2:
0x7b: {  	(tag) =	ssettag $0x2  }
0x7c: {  	s0 =	rddreg [dreg:$0x0];
	s2 =	stileid.u32  }
0x7d: {  	s1 =	rddreg [dreg:$0x1];
	p0 =	sne.s32 s2, $0x0  }
0x7e: {  	s3 =	rddreg [dreg:$0x2];
	[bflag:$0x3] =	sbarrier.arrive $0xFFFF;
	s2 =	simm.s32 @!p0 $0x1C07  }
0x7f: {  	[timem:s3], [sflag:s2] =	dma.local @!p0 [hbm:s0], s1  }
0x80: {  	s0 =	simm.s32 @!p0 $0x7  }
0x81: {  	_ =	swait.ge @!p0 [sflag:s0], s1  }
0x82: {  	s1 =	ssub.s32 @!p0 $0x0, s1;
	[sflag:s0] =	ssyncset.done @!p0 $0x0  }
0x83: {  	[sflag:s0] =	ssyncadd.s32 @!p0 s1  }
0x84: {  	[bflag:$0x3] =	sbarrier.arrive $0xFFFF  }
0x85: {  	_ =	shalt  }

// kernel: kernel.9.cloned.1.call-start
scs
__scs_entry_jumppad:
0x0: {  	(pc) =	sbr.rel $0x88, $3  }
0x1: {  	(tag) =	ssettag $0x0;
	lr =	simm.s32 $0x1  }
0x2: {  	[smem:$0x3F99] =	sst lr;
	_ =	strace $0xD0000000  }
0x3: {  	_ = 	snop  }
0x4: {  	_ = 	snop  }
0x5: {  	_ = 	snop  }
0x6: {  	_ = 	snop  }
0x7: {  	_ = 	snop  }
__scs_overlays_trampoline_lowered:
0x8: {  	[smem:$0x3FA8] =	sst s0  }
0x9: {  	[smem:$0x3FA9] =	sst s1  }
0xa: {  	[smem:$0x3FAA] =	sst s2  }
0xb: {  	[smem:$0x3FAB] =	sst s3  }
0xc: {  	[smem:$0x3FAC] =	sst s4  }
0xd: {  	[smem:$0x3FAD] =	sst s5  }
0xe: {  	[smem:$0x3FAE] =	sst s6  }
0xf: {  	[smem:$0x3FAF] =	sst s7  }
0x10: {  	[smem:$0x3FB0] =	sst s8  }
0x11: {  	[smem:$0x3FB1] =	sst s9;
	s0 =	simm.s32 @!p0 $0x0  }
0x12: {  	s1 =	sld [smem:$0x3F97];
	s0 =	simm.s32 @p0 $0x1  }
0x13: {  	[smem:$0x3FB2] =	sst s0;
	s0 =	simm.s32 @!p1 $0x0  }
0x14: {  	s2 =	sld [smem:$0x3F96];
	s0 =	simm.s32 @p1 $0x1  }
0x15: {  	[smem:$0x3FB3] =	sst s0;
	s0 =	simm.s32 @!p2 $0x0  }
0x16: {  	s3 =	sld [smem:$0x3FDB];
	s0 =	simm.s32 @p2 $0x1  }
0x17: {  	s4 =	simm.s32 $0x1BF5;
	[smem:$0x3FB5] =	sst s0  }
0x18: {  	s0 =	sld [smem:$0x3F98];
	_ =	swait.ge [sflag:s4], $0x0  }
0x19: {  	s7 =	sld [smem:$0x3F99]  }
0x1a: {  	s8 =	sadd.s32 $0xFFFFE003, lr  }
0x1b: {  	s9 =	sadd.s32 $0xFFFFFEF7, lr;
	s5 =	simm.s32 $0xFFFFFFFF;
	p2 =	slt.u32 s8, $0xFFFFF086  }
0x1c: {  	p1 =	slt.u32 s9, $0xF7A;
	s5 =	simm.s32 @!p2 $0x0  }
0x1d: {  	s5 =	simm.s32 @p1 $0x1;
	p0 =	seq.s32 s7, s2  }
0x1e: {  	s7 =	smul.u32 @!p0 $0xF7A, s2;
	p2 =	seq.s32 @!p0 s5, $0x0  }
0x1f: {  	s9 =	smul.u32 $0xF7A, s1;
	s8 =	simm.s32 @!p0 $0x1BF5;
	p2 =	por !p2, p0  }
0x20: {  	[sflag:s8] =	ssyncset.s32 @!p0 $0xFFFFF086;
	s6 =	sadd.s32 @!p0 s3, s7;
	s7 =	simm.s32 @!p0 $0x108  }
0x21: {  	s3 =	sadd.s32 s3, s9;
	s6 =	sadd.s32 @!p0 $0x88, s6;
	s7 =	simm.s32 @p2 $0x1082  }
0x22: {  	[simem:s7], [sflag:s8] =	dma.local @!p0 [hbm:s6], $0xF7A  }
0x23: {  	s9 =	sor.u32 $0xD0000000, s2;
	s6 =	simm.s32 $0x108;
	_ =	swait.ge @!p0 [sflag:s8], $0x0  }
0x24: {  	s3 =	sadd.s32 $0x88, s3;
	s6 =	simm.s32 @!p1 $0x1082;
	[sflag:s4] =	ssyncset.s32 $0xFFFFF086  }
0x25: {  	[simem:s6], [sflag:s4] =	dma.local [hbm:s3], $0xF7A  }
0x26: {  	[smem:$0x3F99] =	sst s1;
	(tag) =	ssettag s2;
	_ =	strace s9  }
0x27: {  	s1 =	sld [smem:$0x3FA9]  }
0x28: {  	s2 =	sld [smem:$0x3FAA]  }
0x29: {  	s4 =	sld [smem:$0x3FAC]  }
0x2a: {  	p0 =	seq.s32 s5, $0x0;
	s5 =	sld [smem:$0x3FAD]  }
0x2b: {  	s6 =	sld [smem:$0x3FAE]  }
0x2c: {  	s7 =	sld [smem:$0x3FAF]  }
0x2d: {  	s3 =	simm.s32 $0x108;
	s8 =	sld [smem:$0x3FB0]  }
0x2e: {  	s3 =	simm.s32 @!p0 $0x1082;
	s9 =	sld [smem:$0x3FB1]  }
0x2f: {  	lr =	sadd.s32 s0, s3;
	s0 =	sld [smem:$0x3FA8]  }
0x30: {  	s3 =	sld [smem:$0x3FAB]  }
0x31: {  	[smem:$0x3FB4] =	sst s10  }
0x32: {  	s10 =	sld [smem:$0x3FB2];
	_ =	sdelay $0x3  }
0x33: {  	p0 =	seq.s32 s10, $0x1;
	s10 =	sld [smem:$0x3FB4];
	_ =	sdelay $0x3  }
0x34: {  	[smem:$0x3FB4] =	sst s10  }
0x35: {  	s10 =	sld [smem:$0x3FB3];
	_ =	sdelay $0x3  }
0x36: {  	p1 =	seq.s32 s10, $0x1;
	s10 =	sld [smem:$0x3FB4];
	_ =	sdelay $0x3  }
0x37: {  	[smem:$0x3FB4] =	sst s10  }
0x38: {  	s10 =	sld [smem:$0x3FB5]  }
0x39: {  	_ = 	snop;
	(pc) =	sbr.ind lr, $3  }
0x3a: {  	_ = 	snop  }
0x3b: {  	_ = 	snop  }
0x3c: {  	p2 =	seq.s32 s10, $0x1;
	s10 =	sld [smem:$0x3FB4]  }
0x3d: {  	_ =	shalt  }
0x3e: {  	_ =	shalt  }
0x3f: {  	_ =	shalt  }
0x40: {  	_ =	shalt  }
0x41: {  	_ =	shalt  }
0x42: {  	_ =	shalt  }
0x43: {  	_ =	shalt  }
0x44: {  	_ =	shalt  }
0x45: {  	_ =	shalt  }
0x46: {  	_ =	shalt  }
0x47: {  	_ =	shalt  }
0x48: {  	_ =	shalt  }
0x49: {  	_ =	shalt  }
0x4a: {  	_ =	shalt  }
0x4b: {  	_ =	shalt  }
0x4c: {  	_ =	shalt  }
0x4d: {  	_ =	shalt  }
0x4e: {  	_ =	shalt  }
0x4f: {  	_ =	shalt  }
0x50: {  	_ =	shalt  }
0x51: {  	_ =	shalt  }
0x52: {  	_ =	shalt  }
0x53: {  	_ =	shalt  }
0x54: {  	_ =	shalt  }
0x55: {  	_ =	shalt  }
0x56: {  	_ =	shalt  }
0x57: {  	_ =	shalt  }
0x58: {  	_ =	shalt  }
0x59: {  	_ =	shalt  }
0x5a: {  	_ =	shalt  }
0x5b: {  	_ =	shalt  }
0x5c: {  	_ =	shalt  }
0x5d: {  	_ =	shalt  }
0x5e: {  	_ =	shalt  }
0x5f: {  	_ =	shalt  }
0x60: {  	_ =	shalt  }
0x61: {  	_ =	shalt  }
0x62: {  	_ =	shalt  }
0x63: {  	_ =	shalt  }
0x64: {  	_ =	shalt  }
0x65: {  	_ =	shalt  }
0x66: {  	_ =	shalt  }
0x67: {  	_ =	shalt  }
0x68: {  	_ =	shalt  }
0x69: {  	_ =	shalt  }
0x6a: {  	_ =	shalt  }
0x6b: {  	_ =	shalt  }
0x6c: {  	_ =	shalt  }
0x6d: {  	_ =	shalt  }
0x6e: {  	_ =	shalt  }
0x6f: {  	_ =	shalt  }
0x70: {  	_ =	shalt  }
0x71: {  	_ =	shalt  }
0x72: {  	_ =	shalt  }
0x73: {  	_ =	shalt  }
0x74: {  	_ =	shalt  }
0x75: {  	_ =	shalt  }
0x76: {  	_ =	shalt  }
0x77: {  	_ =	shalt  }
0x78: {  	_ =	shalt  }
0x79: {  	_ =	shalt  }
0x7a: {  	_ =	shalt  }
0x7b: {  	_ =	shalt  }
0x7c: {  	_ =	shalt  }
0x7d: {  	_ =	shalt  }
0x7e: {  	_ =	shalt  }
0x7f: {  	_ =	shalt  }
0x80: {  	_ =	shalt  }
0x81: {  	_ =	shalt  }
0x82: {  	_ =	shalt  }
0x83: {  	_ =	shalt  }
0x84: {  	_ =	shalt  }
0x85: {  	_ =	shalt  }
0x86: {  	_ =	shalt  }
0x87: {  	_ =	shalt  }
.Lfunc_end0:
.L_simem_size_0:
called_computation_lowered:
.L_overlay_start_0:
0x88: {  	s2 =	sld [smem:$0x3FD9]  }
0x89: {  	s3 =	sld [smem:$0x3FFE];
	_ =	sdelay $0x1  }
0x8a: {  	s1 =	srdreg.scid  }
0x8b: {  	s0 =	sand.u32 $0x1, s1  }
0x8c: {  	s14 =	sshll.u32 s0, $0xA;
	s2 =	sadd.s32 s3, s2  }
0x8d: {  	s2 =	sadd.s32 s2, s14  }
0x8e: {  	[smem:$0x3FC0] =	sst s2  }
0x8f: {  	_ = 	snop  }
0x90: {  	s2 =	sld [smem:$0x3FD0];
	_ =	sdelay $0x2  }
0x91: {  	s15 =	simm.s32 $0xA;
	s4 =	simm.s32 $0x10  }
0x92: {  	[smem:s4], [sflag:s15] =	dma.local [hbm:s2], $0x1  }
0x93: {  	_ =	swait.eq [sflag:s15], $0x1  }
0x94: {  	[sflag:s15] =	ssyncset.done $0x0  }
0x95: {  	s16 =	sld [smem:$0x10];
	[sflag:s15] =	ssyncadd.s32 $0xFFFFFFFF  }
0x96: {  	s17 =	sld [smem:$0x11];
	(tm) =	ssettm $0x1  }
0x97: {  	s18 =	sld [smem:$0x3FFB];
	_ =	sdelay $0x3  }
0x98: {  	_ =	strace s18  }
0x99: {  	s4 =	sld [smem:$0x3FFC];
	_ =	sdelay $0x3  }
0x9a: {  	_ =	strace s4  }
0x9b: {  	s4 =	sld [smem:$0x3FFD];
	_ =	sdelay $0x3  }
0x9c: {  	_ =	strace s4  }
0x9d: {  	_ =	strace $0x8FFFFFFF  }
0x9e: {  	s19 =	sld [smem:$0x3FDB];
	_ =	sdelay $0x1  }
0x9f: {  	s5 =	simm.s32 $_scs_section_size  }
0xa0: {  	s6 =	simm.s32 $_size__tile_overlayer_lowered;
	s7 =	simm.s32 $_tile_overlayer_lowered  }
0xa1: {  	s22 =	simm.s32 $0x1BFF;
	s21 =	sshll.u32 s7, $0x1;
	s4 =	sadd.s32 s5, s19  }
0xa2: {  	s8 =	simm.s32 $0x0;
	s20 =	sshll.u32 s6, $0x1;
	s6 =	sadd.s32 s21, s4  }
0xa3: {  	[timem:s8], [sflag:s22] =	dma.local [hbm:s6], s20  }
0xa4: {  	_ =	swait.ge [sflag:s22], s20  }
0xa5: {  	s5 =	ssub.s32 $0x0, s20;
	[sflag:s22] =	ssyncset.done $0x0  }
0xa6: {  	[sflag:s22] =	ssyncadd.s32 s5;
	_ =	sdelay $0x1  }
0xa7: {  	s23 =	simm.s32 $0x1B8B  }
0xa8: {  	_ =	swait.ge [sflag:s23], $0x1  }
0xa9: {  	[sflag:s23] =	ssyncset.done $0x0  }
0xaa: {  	s25 =	simm.s32 $0x1B8E;
	s24 =	sld [smem:$0x3FFE];
	[sflag:s23] =	ssyncadd.s32 $0xFFFFFFFF  }
0xab: {  	s26 =	simm.s32 $execute0_lowered;
	[smem:$0x3FD2] =	sst s25  }
0xac: {  	s6 =	sshll.u32 s26, $0x1;
	_ =	strace $0x80000046;
	[dreg:$0x1] =	wrdreg $0xFFFFFFFF  }
0xad: {  	s28 =	simm.s32 $_size_execute0_lowered;
	s4 =	sadd.s32 s4, s6;
	[dreg:$0x0] =	wrdreg $0x0  }
0xae: {  	s6 =	sshll.u32 s28, $0x1;
	[dreg:$0x2] =	wrdreg s4  }
0xaf: {  	[dreg:$0x3] =	wrdreg s6  }
0xb0: {  	[dreg:$0x4] =	wrdreg $0xC0  }
0xb1: {  	_ =	task [dreg:s8], $0x5FFFF  }
0xb2: {  	[dreg:$0x1] =	wrdreg $0xFFFFFFFF  }
0xb3: {  	[dreg:$0x0] =	wrdreg $0x60  }
0xb4: {  	[dreg:$0x2] =	wrdreg s17  }
0xb5: {  	[dreg:$0x3] =	wrdreg s24  }
0xb6: {  	[dreg:$0x4] =	wrdreg s16  }
0xb7: {  	[dreg:$0x5] =	wrdreg $0x0  }
0xb8: {  	[dreg:$0x6] =	wrdreg $0x9  }
0xb9: {  	_ =	task.clear_ibuf [dreg:s8], $0x7FFFF;
	_ =	strace $0x90000046  }
0xba: {  	s29 =	simm.s32 $0x9;
	_ =	strace $0x80000048  }
0xbb: {  	_ =	swait.ge [sflag:s29], $0x1  }
0xbc: {  	[sflag:s29] =	ssyncadd.s32 $0xFFFFFFFF  }
0xbd: {  	_ =	strace $0x90000048  }
0xbe: {  	_ =	sfence  }
0xbf: {  	s30 =	sld [smem:$0x0];
	_ =	sdelay $0x2  }
0xc0: {  	s31 =	sshll.u32 s1, $0xD;
	s1 =	sshrl.u32 s1, $0x2  }
0xc1: {  	s3 =	sand.u32 $0x4000, s31;
	s1 =	sadd.s32 s1, s30  }
0xc2: {  	s0 =	sor.u32 s3, s0;
	s1 =	sshll.u32 s1, $0x11  }
0xc3: {  	s0 =	sor.u32 s1, s0  }
0xc4: {  	s0 =	sadd.s32 $0x8F2B, s0  }
0xc5: {  	[sflag:s0] =	ssyncadd.remote.s32 $0x1  }
0xc6: {  	_ =	sfence.sel $0xFFFF  }
0xc7: {  	[dreg:$0x0] =	wrdreg $0xFFFFFFFF;
	(pc) =	sbr.abs _section_cstart, $3  }
0xc8: {  	[dreg:$0x1] =	wrdreg $0xFFFFFFFF  }
0xc9: {  	_ =	task.clear_ibuf [dreg:s8], $0x2FFFF;
	_ =	strace $0x9FFFFFFF  }
0xca: {  	(tm) =	ssettm $0x7FFFFFFF  }
0xcb: {  	_ =	shalt  }
tec
execute0_lowered:
.L_overlay_start_1:
0x0: {  	(tag) =	ssettag $0x1  }
0x1: {  	s7 =	rddreg [dreg:$0x0]  }
0x2: {  	s4 =	rddreg [dreg:$0x1]  }
0x3: {  	s8 =	rddreg [dreg:$0x2]  }
0x4: {  	s2 =	rddreg [dreg:$0x3]  }
0x5: {  	s0 =	rddreg [dreg:$0x4];
	s1 =	stileid.u32  }
0x6: {  	s3 =	simm.s32 $0x0;
	s6 =	srdreg.scid;
	s5 =	smul.u32 $0x1400, s1  }
0x7: {  	[smem:$0x7FF] =	sst s3;
	s6 =	sand.u32 $0x1, s6;
	s13 =	smul.u32 $0x500, s1  }
0x8: {  	s15 =	sshll.u32 s1, $0x6;
	_ =	strace $0x80000047;
	s10 =	smul.u32 $0x5000, s6  }
0x9: {  	s9 =	ssub.s32 $0x2, s6;
	s30 =	smul.u32 $0x2800, s6;
	s6 =	sor.u32 $0x1C02, s15  }
0xa: {  	s15 =	simm.s32 $0x0;
	s14 =	sshrl.u32 s5, $0x3;
	s12 =	sshrl.u32 s9, $0x1  }
0xb: {  	s29 =	sadd.s32 s5, s2;
	s11 =	sadd.s32 s14, s4;
	s4 =	sadd.s32 $0x19E00, s4  }
0xc: {  	s9 =	ssub.s32 s9, s12;
	s10 =	sadd.s32 s13, s10;
	s31 =	sadd.s32 s8, s30  }
0xd: {  	s12 =	simm.s32 $0x80;
	s13 =	simm.s32 $0x1;
	s5 =	sadd.s32 $0x17600, s11  }
0xe: {  	s7 =	sadd.s32 s7, s10;
	s8 =	smax.u32 s9, $0x1;
	s9 =	sshrl.u32 s29, $0x3  }
0xf: {  	s10 =	simm.s32 $0x2;
	s11 =	simm.s32 $0x3C00;
	s14 =	sadd.s32 s14, s31  }
.LBB2_1:
0x10: {  	[spmem:s9], [sflag:s6] =	dma.local [hbm:s5], $0x280  }
0x11: {  	_ =	swait.ge [sflag:s10], $0x280  }
0x12: {  	[sflag:s10] =	ssyncset.done $0x0  }
0x13: {  	[sflag:s10] =	ssyncadd.s32 $0xFFFFFD80  }
0x14: {  	[tilespmem:s11], [sflag:$0x2] =	stream.linear.gather [hbm4b:s4+s3], $0x400, $0x38;
	[tilespmem:$0x4000] =	vst v63  }
0x15: {  	_ =	swait.ge [sflag:s10], $0x400  }
0x16: {  	[sflag:s10] =	ssyncset.done $0x0  }
0x17: {  	s16 =	simm.s32 $0x1400;
	[sflag:s10] =	ssyncadd.s32 $0xFFFFFC00  }
0x18: {  	[tilespmem:s16], [sflag:$0x2] =	stream.linear.gather [hbm4b:s7+s3], $0x2800, $0x38;
	[tilespmem:$0x4000] =	vst v63  }
0x19: {  	_ =	swait.ge [sflag:s10], $0x2800  }
0x1a: {  	[sflag:s10] =	ssyncset.done $0x0  }
0x1b: {  	p0 =	por $0x1, $0x1;
	[sflag:s10] =	ssyncadd.s32 $0xFFFFD800  }
0x1c: {  	s18 =	simm.s32 @!p0 $0x1;
	[bflag:$0x0] =	sbarrier.arrive $0xFFFF  }
0x1d: {  	[spmem:s2] =	stream.indirect.scatter.add.f32 [tilespmem:s11], [sflag:$0x1], $0x8, s16, s12, $0xb8;
	[tilespmem:$0x4000] =	vst v63  }
0x1e: {  	_ =	swait.ge @!p0 [sflag:s18], $0x400  }
0x1f: {  	s17 =	simm.s32 $0x1;
	[sflag:s18] =	ssyncset.done @!p0 $0x0  }
.LBB2_2:
0x20: {  	[sflag:s18] =	ssyncadd.s32 @!p0 $0xFFFFFC00  }
0x21: {  	s16 =	sadd.s32 $0x80, s16;
	s18 =	smov.u32 s17;
	s17 =	sadd.s32 $0x1, s17  }
0x22: {  	p1 =	sne.s32 s17, $0x50  }
0x23: {  	[spmem:s2] =	stream.indirect.scatter.add.f32 [tilespmem:s11], [sflag:$0x1], $0x8, s16, s12, $0xb8;
	[tilespmem:$0x4000] =	vst v63  }
.Ltmp0:
0x24: {  	_ = 	snop;
	(pc) =	sbr.rel @p1 .LBB2_2-.Ltmp0, $4  }
0x25: {  	p0 =	slt.u32 s18, $0x8  }
0x26: {  	s18 =	simm.s32 @!p0 $0x1  }
0x27: {  	_ =	swait.ge @!p0 [sflag:s18], $0x400  }
0x28: {  	[sflag:s18] =	ssyncset.done @!p0 $0x0  }
0x29: {  	[sflag:s18] =	ssyncadd.s32 @!p0 $0xFFFFFC00  }
0x2a: {  	_ =	swait.ge [sflag:s13], $0x400  }
0x2b: {  	[sflag:s13] =	ssyncset.done $0x0  }
0x2c: {  	[sflag:s13] =	ssyncadd.s32 $0xFFFFFC00  }
0x2d: {  	_ =	swait.ge [sflag:s13], $0x400  }
0x2e: {  	[sflag:s13] =	ssyncset.done $0x0  }
0x2f: {  	[sflag:s13] =	ssyncadd.s32 $0xFFFFFC00  }
0x30: {  	_ =	swait.ge [sflag:s13], $0x400  }
0x31: {  	[sflag:s13] =	ssyncset.done $0x0  }
0x32: {  	[sflag:s13] =	ssyncadd.s32 $0xFFFFFC00  }
0x33: {  	_ =	swait.ge [sflag:s13], $0x400  }
0x34: {  	[sflag:s13] =	ssyncset.done $0x0  }
0x35: {  	[sflag:s13] =	ssyncadd.s32 $0xFFFFFC00  }
0x36: {  	_ =	swait.ge [sflag:s13], $0x400  }
0x37: {  	[sflag:s13] =	ssyncset.done $0x0  }
0x38: {  	[sflag:s13] =	ssyncadd.s32 $0xFFFFFC00  }
0x39: {  	_ =	swait.ge [sflag:s13], $0x400  }
0x3a: {  	[sflag:s13] =	ssyncset.done $0x0  }
0x3b: {  	[sflag:s13] =	ssyncadd.s32 $0xFFFFFC00  }
0x3c: {  	_ =	swait.ge [sflag:s13], $0x400  }
0x3d: {  	[sflag:s13] =	ssyncset.done $0x0  }
0x3e: {  	[sflag:s13] =	ssyncadd.s32 $0xFFFFFC00  }
0x3f: {  	_ =	swait.ge [sflag:s13], $0x400  }
0x40: {  	s15 =	sadd.s32 $0x1, s15;
	[sflag:s13] =	ssyncset.done $0x0  }
0x41: {  	p0 =	sne.s32 s15, s8;
	[sflag:s13] =	ssyncadd.s32 $0xFFFFFC00  }
.Ltmp1:
0x42: {  	[bflag:$0x0] =	sbarrier.arrive $0xFFFF;
	(pc) =	sbr.rel @p0 .LBB2_1-.Ltmp1, $4  }
0x43: {  	[hbm:s14], [sflag:s6] =	dma.local [spmem:s9], $0x280  }
0x44: {  	_ =	swait.ge [sflag:s10], $0x280  }
0x45: {  	[sflag:s10] =	ssyncset.done $0x0  }
0x46: {  	[sflag:s10] =	ssyncadd.s32 $0xFFFFFD80  }
0x47: {  	_ =	sfence.sel $0x180000  }
0x48: {  	[bflag:$0x0] =	sbarrier.arrive $0xFFFF  }
0x49: {  	p0 =	sne.s32 s1, $0x0;
	_ =	strace $0x90000047  }
0x4a: {  	s0 =	sadd.s32 @!p0 $0x100000, s0;
	[bflag:$0x2] =	sbarrier.arrive $0xFFFF  }
0x4b: {  	[sflag:s0] =	ssyncadd.tile.s32 @!p0 $0x1;
	_ =	shalt  }
.Lfunc_end2:
_tile_overlayer_lowered:
.L_overlay_start_2:
0x4c: {  	(tag) =	ssettag $0x2  }
0x4d: {  	s0 =	rddreg [dreg:$0x0];
	s2 =	stileid.u32  }
0x4e: {  	s1 =	rddreg [dreg:$0x1];
	p0 =	sne.s32 s2, $0x0  }
0x4f: {  	s3 =	rddreg [dreg:$0x2];
	[bflag:$0x3] =	sbarrier.arrive $0xFFFF;
	s2 =	simm.s32 @!p0 $0x1C02  }
0x50: {  	[timem:s3], [sflag:s2] =	dma.local @!p0 [hbm:s0], s1  }
0x51: {  	s0 =	simm.s32 @!p0 $0x2  }
0x52: {  	_ =	swait.ge @!p0 [sflag:s0], s1  }
0x53: {  	s1 =	ssub.s32 @!p0 $0x0, s1;
	[sflag:s0] =	ssyncset.done @!p0 $0x0  }
0x54: {  	[sflag:s0] =	ssyncadd.s32 @!p0 s1  }
0x55: {  	[bflag:$0x3] =	sbarrier.arrive $0xFFFF  }
0x56: {  	_ =	shalt  }

</sc_bundles>
